<compile_context>
chip_gen: v7x
topology: tpu7x:2x2x1
jax: 0.10.2.dev20260603
libtpu: 0.0.44.dev20260713+nightly
codegen_flags: <defaults>
</compile_context>

<pallas_src>
import functools

import jax
import jax.numpy as jnp
from jax import lax
from jax.experimental import pallas as pl
from jax.experimental.pallas import tpu as pltpu
from jax.experimental.pallas import tpu_sc as plsc

_MARGIN = 0.2
_MOMENTUM = 0.9
_NC = 16
_D = 512
_BLK = 2048

_SC_CORES = 2
_SC_SUBCORES = 16
_SC_W = _SC_CORES * _SC_SUBCORES
_CHUNK = 64
_SC_ROWS = 4096
_TC_ROWS = 16384 - _SC_ROWS
_N_PER_W = _SC_ROWS // _SC_W


def _tc_body(fl0, fl1, noff, rl0, rl1, f_ref, r_ref, rc_ref, fc_ref,
             loss_out, nfc_out, rsum_out, fsum, fcnt, lacc, rsum):
    i = pl.program_id(0)
    nsteps = pl.num_programs(0)
    rblk = r_ref.shape[0]

    @pl.when(i == 0)
    def _init():
        fsum[...] = jnp.zeros_like(fsum)
        fcnt[...] = jnp.zeros_like(fcnt)
        lacc[...] = jnp.zeros_like(lacc)
        rsum[...] = jnp.zeros_like(rsum)

    r = r_ref[...]
    rcid = rl0[0] * 4 + rl1[0]
    iota_r = lax.broadcasted_iota(jnp.int32, (_NC, rblk), 0)
    oh_r = (iota_r == rcid).astype(jnp.float32)
    rsum[...] += lax.dot_general(oh_r, r, (((1,), (0,)), ((), ())),
                                 preferred_element_type=jnp.float32)

    f = f_ref[...]
    fcid = fl0[0] * 4 + fl1[0]
    ncid = lax.rem(fcid + 1 + noff[0], _NC)

    iota_c = lax.broadcasted_iota(jnp.int32, (_NC, _BLK), 0)
    oh_f = (iota_c == fcid).astype(jnp.float32)
    oh_n = (iota_c == ncid).astype(jnp.float32)

    dn = (((1,), (0,)), ((), ()))
    fsum[...] += lax.dot_general(oh_f, f, dn, preferred_element_type=jnp.float32)
    fcnt[...] += jnp.sum(oh_f, axis=1, keepdims=True)

    cp = rc_ref[...] - 1e-6
    gt = lax.dot_general(cp, f, (((1,), (1,)), ((), ())),
                         preferred_element_type=jnp.float32)
    cn2 = jnp.sum(cp * cp, axis=1, keepdims=True)
    term = cn2 - 2.0 * gt
    posd = jnp.sum(oh_f * term, axis=0, keepdims=True)
    negd = jnp.sum(oh_n * term, axis=0, keepdims=True)
    rown = jnp.reshape(jnp.sum(f * f, axis=1), (1, _BLK))
    dpos = jnp.sqrt(jnp.maximum(rown + posd, 0.0))
    dneg = jnp.sqrt(jnp.maximum(rown + negd, 0.0))
    lacc[...] += jnp.sum(jnp.maximum(dpos - dneg + _MARGIN, 0.0), keepdims=True)

    @pl.when(i == nsteps - 1)
    def _fin():
        loss_out[...] = lacc[...] / (nsteps * _BLK)
        fmean = fsum[...] / jnp.maximum(fcnt[...], 1.0)
        fup = _MOMENTUM * fc_ref[...] + (1.0 - _MOMENTUM) * fmean
        nfc_out[...] = jnp.where(fcnt[...] > 0.0, fup, fc_ref[...])
        rsum_out[...] = rsum[...]


def _run_tc(f, fl0, fl1, noff, rtc, rl0, rl1, rc, fc):
    grid = f.shape[0] // _BLK
    rblk = rtc.shape[0] // grid
    row3 = pl.BlockSpec((1, 1, _BLK), lambda i: (i, 0, 0))
    row3r = pl.BlockSpec((1, 1, rblk), lambda i: (i, 0, 0))
    rows = pl.BlockSpec((_BLK, _D), lambda i: (i, 0))
    rrows = pl.BlockSpec((rblk, _D), lambda i: (i, 0))
    full = pl.BlockSpec((_NC, _D), lambda i: (0, 0))
    return pl.pallas_call(
        _tc_body,
        grid=(grid,),
        in_specs=[row3, row3, row3, row3r, row3r, rows, rrows, full, full],
        out_specs=[pl.BlockSpec((1, 1), lambda i: (0, 0)), full, full],
        out_shape=[
            jax.ShapeDtypeStruct((1, 1), jnp.float32),
            jax.ShapeDtypeStruct((_NC, _D), jnp.float32),
            jax.ShapeDtypeStruct((_NC, _D), jnp.float32),
        ],
        scratch_shapes=[
            pltpu.VMEM((_NC, _D), jnp.float32),
            pltpu.VMEM((_NC, 1), jnp.float32),
            pltpu.VMEM((1, 1), jnp.float32),
            pltpu.VMEM((_NC, _D), jnp.float32),
        ],
    )(fl0, fl1, noff, rl0, rl1, f, rtc, rc, fc)


def _sc_body(r_hbm, l0_hbm, l1_hbm, psum_hbm,
             rows_v, l0_v, l1_v, cid_v, acc_v, sem_v):
    c = lax.axis_index("c")
    s = lax.axis_index("s")
    wid = s * _SC_CORES + c
    n_rows = r_hbm.shape[0]
    per_w = n_rows // _SC_W
    base = wid * per_w

    z16 = jnp.zeros((16,), jnp.float32)

    @plsc.parallel_loop(0, _NC, unroll=1)
    def _zero(r):
        for k in range(_D // 16):
            acc_v[r, pl.ds(k * 16, 16)] = z16

    pltpu.sync_copy(l0_hbm.at[pl.ds(base, per_w)], l0_v)
    pltpu.sync_copy(l1_hbm.at[pl.ds(base, per_w)], l1_v)

    @plsc.parallel_loop(0, per_w // 16, unroll=2)
    def _cid(k):
        sl = pl.ds(k * 16, 16)
        cid_v[sl] = l0_v[sl] * 4 + l1_v[sl]

    nchunks = per_w // _CHUNK

    def _dma(t):
        b = lax.rem(t, 2)
        return pltpu.make_async_copy(
            r_hbm.at[pl.ds(base + t * _CHUNK, _CHUNK)],
            rows_v.at[b], sem_v.at[b])

    _dma(0).start()

    def _chunk(t, _):
        b = lax.rem(t, 2)

        @pl.when(t + 1 < nchunks)
        def _pref():
            _dma(t + 1).start()

        _dma(t).wait()

        @plsc.parallel_loop(0, _CHUNK, unroll=4)
        def _row(r2):
            cidr = cid_v[pl.ds(t * _CHUNK + r2, 16)][0]
            for j in range(_D // 16):
                x = rows_v[b, r2, pl.ds(j * 16, 16)]
                plsc.addupdate(acc_v.at[cidr, pl.ds(j * 16, 16)], x)

        return 0

    lax.fori_loop(0, nchunks, _chunk, 0)
    pltpu.sync_copy(acc_v, psum_hbm.at[wid])


def _run_sc(r, l0, l1):
    mesh = plsc.VectorSubcoreMesh(core_axis_name="c", subcore_axis_name="s")
    fn = pl.kernel(
        _sc_body,
        out_type=jax.ShapeDtypeStruct((_SC_W, _NC, _D), jnp.float32),
        mesh=mesh,
        scratch_types=[
            pltpu.VMEM((2, _CHUNK, _D), jnp.float32),
            pltpu.VMEM((_N_PER_W,), jnp.int32),
            pltpu.VMEM((_N_PER_W,), jnp.int32),
            pltpu.VMEM((_N_PER_W + 16,), jnp.int32),
            pltpu.VMEM((_NC, _D), jnp.float32),
            pltpu.SemaphoreType.DMA((2,)),
        ],
    )
    return fn(r, l0, l1)


def _fin_body(rl0, rl1, psum_ref, rsum_tc_ref, rc_ref, out_ref):
    n = rl0.shape[-1]
    rcid = rl0[0] * 4 + rl1[0]
    iota_c = lax.broadcasted_iota(jnp.int32, (_NC, n), 0)
    oh = (iota_c == rcid).astype(jnp.float32)
    cnts = jnp.sum(oh, axis=1, keepdims=True)
    sums = jnp.sum(psum_ref[...], axis=0) + rsum_tc_ref[...]
    mean = sums / jnp.maximum(cnts, 1.0)
    upd = _MOMENTUM * rc_ref[...] + (1.0 - _MOMENTUM) * mean
    out_ref[...] = jnp.where(cnts > 0.0, upd, rc_ref[...])


def _run_fin(rl0, rl1, psum, rsum_tc, rc):
    return pl.pallas_call(
        _fin_body,
        out_shape=jax.ShapeDtypeStruct((_NC, _D), jnp.float32),
    )(rl0, rl1, psum, rsum_tc, rc)


@jax.jit
def _run(r, f, rl0, rl1, fl0, fl1, noff, rc, fc):
    g = f.shape[0] // _BLK
    psum = _run_sc(r[:_SC_ROWS], rl0[:_SC_ROWS], rl1[:_SC_ROWS])
    rblk = _TC_ROWS // g
    loss, nfc, rsum_tc = _run_tc(
        f, fl0, fl1, noff, r[_SC_ROWS:],
        rl0[_SC_ROWS:].reshape(g, 1, rblk), rl1[_SC_ROWS:].reshape(g, 1, rblk),
        rc, fc)
    nrc = _run_fin(rl0.reshape(1, 1, -1), rl1.reshape(1, 1, -1), psum,
                   rsum_tc, rc)
    return loss, nrc, nfc


def kernel(real_double_features, fake_double_features, real_double_labels,
           fake_double_labels, real_centroids, fake_centroids, neg_offset):
    n = fake_double_features.shape[0]
    g = n // _BLK
    shp = (g, 1, _BLK)
    fl0 = fake_double_labels[:, 0].reshape(shp)
    fl1 = fake_double_labels[:, 1].reshape(shp)
    noff = neg_offset.reshape(shp)
    rl0 = real_double_labels[:, 0]
    rl1 = real_double_labels[:, 1]
    loss, nrc, nfc = _run(real_double_features, fake_double_features,
                          rl0, rl1, fl0, fl1, noff,
                          real_centroids, fake_centroids)
    return loss.reshape(()), nrc, nfc

# --- scband reference (transcript-rebuilt; emitter-appended) ---
"""Pipeline reference for scband-triplet-centroids-34600256537376 (READ-ONLY COPY).

The authoritative reference and input builder live on the scoring server;
editing this copy changes nothing except your own understanding.
"""

import jax, jax.numpy as jnp
import numpy as np

MARGIN = 0.2
MOMENTUM = 0.9
NUM_CLASSES = 16
FEATURE_DIM = 512
N_REAL = 16384
N_FAKE = 16384


def setup_inputs(seed: int = 0) -> dict:
    key = jax.random.key(seed)
    ks = jax.random.split(key, 7)
    real_double_features = jax.random.normal(ks[0], (N_REAL, FEATURE_DIM), dtype=jnp.float32)
    fake_double_features = jax.random.normal(ks[1], (N_FAKE, FEATURE_DIM), dtype=jnp.float32)
    real_double_labels = jax.random.randint(ks[2], (N_REAL, 2), 0, 4, dtype=jnp.int32)
    fake_double_labels = jax.random.randint(ks[3], (N_FAKE, 2), 0, 4, dtype=jnp.int32)
    # Encodes the module's random.choices of a negative class != positive class:
    # neg_cid = (cid + 1 + neg_offset) % 16 with neg_offset in [0, 14].
    neg_offset = jax.random.randint(ks[4], (N_FAKE,), 0, NUM_CLASSES - 1, dtype=jnp.int32)
    real_centroids = jax.random.normal(ks[5], (NUM_CLASSES, FEATURE_DIM), dtype=jnp.float32)
    fake_centroids = jax.random.normal(ks[6], (NUM_CLASSES, FEATURE_DIM), dtype=jnp.float32)
    return {
        "real_double_features": real_double_features,
        "fake_double_features": fake_double_features,
        "real_double_labels": real_double_labels,
        "fake_double_labels": fake_double_labels,
        "real_centroids": real_centroids,
        "fake_centroids": fake_centroids,
        "neg_offset": neg_offset,
    }


def _class_id(labels):
    return labels[:, 0] * 4 + labels[:, 1]


def _update_centroids(cent, feats, cid):
    # scatter-add segment mean, then momentum blend; classes with no items keep prev value
    sums = jax.ops.segment_sum(feats, cid, num_segments=NUM_CLASSES)
    cnts = jax.ops.segment_sum(jnp.ones((feats.shape[0],), feats.dtype), cid, num_segments=NUM_CLASSES)
    means = sums / jnp.maximum(cnts, 1.0)[:, None]
    upd = MOMENTUM * cent + (1.0 - MOMENTUM) * means
    return jnp.where((cnts > 0)[:, None], upd, cent)


def reference(real_double_features, fake_double_features, real_double_labels, fake_double_labels, real_centroids, fake_centroids, neg_offset):
    rcid = _class_id(real_double_labels)
    fcid = _class_id(fake_double_labels)
    # NOTE: the original torch code resets the triplet lists after the real-anchor
    # loop, so ONLY fake anchors (compared vs real centroids) contribute to the
    # loss. This translation is faithful to that behavior.
    pos = jnp.take(real_centroids, fcid, axis=0)
    neg_cid = (fcid + 1 + neg_offset) % NUM_CLASSES
    neg = jnp.take(real_centroids, neg_cid, axis=0)
    eps = 1e-6
    d_pos = jnp.linalg.norm(fake_double_features - pos + eps, axis=-1)
    d_neg = jnp.linalg.norm(fake_double_features - neg + eps, axis=-1)
    loss = jnp.mean(jnp.maximum(d_pos - d_neg + MARGIN, 0.0))
    # no_grad momentum centroid updates (the scatter-memory side effect)
    new_real_centroids = _update_centroids(real_centroids, jax.lax.stop_gradient(real_double_features), rcid)
    new_fake_centroids = _update_centroids(fake_centroids, jax.lax.stop_gradient(fake_double_features), fcid)
    return loss, new_real_centroids, new_fake_centroids

if __name__ == "__main__":
    import jax
    _d = setup_inputs()
    print(jax.jit(kernel)(*tuple(_d.values())))

</pallas_src>

<mosaic_0001>
#map = affine_map<(d0, d1) -> (0, 0)>
#map1 = affine_map<(d0, d1) -> (0)>
#map2 = affine_map<(d0, d1) -> (0, 0, 0)>
module attributes {stable_mosaic.version = 14 : i64} {
  func.func @_sc_body(%arg0: i32, %arg1: i32, %arg2: memref<4096x512xf32, #tpu.memory_space<hbm>>, %arg3: memref<4096xi32, #tpu.memory_space<hbm>>, %arg4: memref<4096xi32, #tpu.memory_space<hbm>>, %arg5: memref<32x16x512xf32, #tpu.memory_space<hbm>>, %arg6: memref<2x64x512xf32, #tpu.memory_space<vmem>>, %arg7: memref<128xi32, #tpu.memory_space<vmem>>, %arg8: memref<128xi32, #tpu.memory_space<vmem>>, %arg9: memref<144xi32, #tpu.memory_space<vmem>>, %arg10: memref<16x512xf32, #tpu.memory_space<vmem>>, %arg11: memref<2x!tpu.dma_semaphore, #tpu.memory_space<semaphore_mem>>) attributes {dimension_semantics = [#tpu.dimension_semantics<core_parallel>, #tpu.dimension_semantics<subcore_parallel>], iteration_bounds = array<i64: 2, 16>, scalar_prefetch = 0 : i64, scratch_operands = 6 : i64, tpu.core_type = #tpu.core_type<sc_vector_subcore>, window_params = [{transform_indices = #map}, {transform_indices = #map1}, {transform_indices = #map1}, {transform_indices = #map2}]} {
    %mul3A = arith.constant 2 : i32
    %mul3A_0 = arith.muli %arg1, %mul3A : i32
    %add3A = arith.addi %mul3A_0, %arg0 : i32
    %mul3A_1 = arith.constant 128 : i32
    %mul3A_2 = arith.muli %add3A, %mul3A_1 : i32
    %broadcast_in_dim3A = arith.constant 0.000000e+00 : f32
    %broadcast_in_dim3A_3 = vector.broadcast %broadcast_in_dim3A : f32 to vector<16xf32>
    %parallel_loop3A = arith.constant 0 : i32
    %parallel_loop3A_4 = arith.constant 16 : i32
    %parallel_loop3A_5 = arith.constant 1 : i32
    scf.for %parallel_loop3A_32 = %parallel_loop3A to %parallel_loop3A_4 step %parallel_loop3A_5  : i32 {
      %parallel_loop3A_33 = arith.index_cast %parallel_loop3A_32 : i32 to index
      %parallel_loop3A_34 = arith.constant 0 : index
      %parallel_loop3A_35 = tpu.vector_load %arg10[%parallel_loop3A_33, %parallel_loop3A_34] {strides = array<i32>} : memref<16x512xf32, #tpu.memory_space<vmem>>, vector<1x16xf32>,
      %parallel_loop3A_36 = vector.shape_cast %parallel_loop3A_35 : vector<1x16xf32> to vector<16xf32>
      %parallel_loop3A_37 = vector.shape_cast %broadcast_in_dim3A_3 : vector<16xf32> to vector<1x16xf32>
      tpu.vector_store %arg10[%parallel_loop3A_33, %parallel_loop3A_34], %parallel_loop3A_37 {strides = array<i32>} : memref<16x512xf32, #tpu.memory_space<vmem>>, vector<1x16xf32>,
      %parallel_loop3A_38 = arith.index_cast %parallel_loop3A_32 : i32 to index
      %parallel_loop3A_39 = arith.constant 16 : index
      %parallel_loop3A_40 = tpu.vector_load %arg10[%parallel_loop3A_38, %parallel_loop3A_39] {strides = array<i32>} : memref<16x512xf32, #tpu.memory_space<vmem>>, vector<1x16xf32>,
      %parallel_loop3A_41 = vector.shape_cast %parallel_loop3A_40 : vector<1x16xf32> to vector<16xf32>
      %parallel_loop3A_42 = vector.shape_cast %broadcast_in_dim3A_3 : vector<16xf32> to vector<1x16xf32>
      tpu.vector_store %arg10[%parallel_loop3A_38, %parallel_loop3A_39], %parallel_loop3A_42 {strides = array<i32>} : memref<16x512xf32, #tpu.memory_space<vmem>>, vector<1x16xf32>,
      %parallel_loop3A_43 = arith.index_cast %parallel_loop3A_32 : i32 to index
      %parallel_loop3A_44 = arith.constant 32 : index
      %parallel_loop3A_45 = tpu.vector_load %arg10[%parallel_loop3A_43, %parallel_loop3A_44] {strides = array<i32>} : memref<16x512xf32, #tpu.memory_space<vmem>>, vector<1x16xf32>,
      %parallel_loop3A_46 = vector.shape_cast %parallel_loop3A_45 : vector<1x16xf32> to vector<16xf32>
      %parallel_loop3A_47 = vector.shape_cast %broadcast_in_dim3A_3 : vector<16xf32> to vector<1x16xf32>
      tpu.vector_store %arg10[%parallel_loop3A_43, %parallel_loop3A_44], %parallel_loop3A_47 {strides = array<i32>} : memref<16x512xf32, #tpu.memory_space<vmem>>, vector<1x16xf32>,
      %parallel_loop3A_48 = arith.index_cast %parallel_loop3A_32 : i32 to index
      %parallel_loop3A_49 = arith.constant 48 : index
      %parallel_loop3A_50 = tpu.vector_load %arg10[%parallel_loop3A_48, %parallel_loop3A_49] {strides = array<i32>} : memref<16x512xf32, #tpu.memory_space<vmem>>, vector<1x16xf32>,
      %parallel_loop3A_51 = vector.shape_cast %parallel_loop3A_50 : vector<1x16xf32> to vector<16xf32>
      %parallel_loop3A_52 = vector.shape_cast %broadcast_in_dim3A_3 : vector<16xf32> to vector<1x16xf32>
      tpu.vector_store %arg10[%parallel_loop3A_48, %parallel_loop3A_49], %parallel_loop3A_52 {strides = array<i32>} : memref<16x512xf32, #tpu.memory_space<vmem>>, vector<1x16xf32>,
      %parallel_loop3A_53 = arith.index_cast %parallel_loop3A_32 : i32 to index
      %parallel_loop3A_54 = arith.constant 64 : index
      %parallel_loop3A_55 = tpu.vector_load %arg10[%parallel_loop3A_53, %parallel_loop3A_54] {strides = array<i32>} : memref<16x512xf32, #tpu.memory_space<vmem>>, vector<1x16xf32>,
      %parallel_loop3A_56 = vector.shape_cast %parallel_loop3A_55 : vector<1x16xf32> to vector<16xf32>
      %parallel_loop3A_57 = vector.shape_cast %broadcast_in_dim3A_3 : vector<16xf32> to vector<1x16xf32>
      tpu.vector_store %arg10[%parallel_loop3A_53, %parallel_loop3A_54], %parallel_loop3A_57 {strides = array<i32>} : memref<16x512xf32, #tpu.memory_space<vmem>>, vector<1x16xf32>,
      %parallel_loop3A_58 = arith.index_cast %parallel_loop3A_32 : i32 to index
      %parallel_loop3A_59 = arith.constant 80 : index
      %parallel_loop3A_60 = tpu.vector_load %arg10[%parallel_loop3A_58, %parallel_loop3A_59] {strides = array<i32>} : memref<16x512xf32, #tpu.memory_space<vmem>>, vector<1x16xf32>,
      %parallel_loop3A_61 = vector.shape_cast %parallel_loop3A_60 : vector<1x16xf32> to vector<16xf32>
      %parallel_loop3A_62 = vector.shape_cast %broadcast_in_dim3A_3 : vector<16xf32> to vector<1x16xf32>
      tpu.vector_store %arg10[%parallel_loop3A_58, %parallel_loop3A_59], %parallel_loop3A_62 {strides = array<i32>} : memref<16x512xf32, #tpu.memory_space<vmem>>, vector<1x16xf32>,
      %parallel_loop3A_63 = arith.index_cast %parallel_loop3A_32 : i32 to index
      %parallel_loop3A_64 = arith.constant 96 : index
      %parallel_loop3A_65 = tpu.vector_load %arg10[%parallel_loop3A_63, %parallel_loop3A_64] {strides = array<i32>} : memref<16x512xf32, #tpu.memory_space<vmem>>, vector<1x16xf32>,
      %parallel_loop3A_66 = vector.shape_cast %parallel_loop3A_65 : vector<1x16xf32> to vector<16xf32>
      %parallel_loop3A_67 = vector.shape_cast %broadcast_in_dim3A_3 : vector<16xf32> to vector<1x16xf32>
      tpu.vector_store %arg10[%parallel_loop3A_63, %parallel_loop3A_64], %parallel_loop3A_67 {strides = array<i32>} : memref<16x512xf32, #tpu.memory_space<vmem>>, vector<1x16xf32>,
      %parallel_loop3A_68 = arith.index_cast %parallel_loop3A_32 : i32 to index
      %parallel_loop3A_69 = arith.constant 112 : index
      %parallel_loop3A_70 = tpu.vector_load %arg10[%parallel_loop3A_68, %parallel_loop3A_69] {strides = array<i32>} : memref<16x512xf32, #tpu.memory_space<vmem>>, vector<1x16xf32>,
      %parallel_loop3A_71 = vector.shape_cast %parallel_loop3A_70 : vector<1x16xf32> to vector<16xf32>
      %parallel_loop3A_72 = vector.shape_cast %broadcast_in_dim3A_3 : vector<16xf32> to vector<1x16xf32>
      tpu.vector_store %arg10[%parallel_loop3A_68, %parallel_loop3A_69], %parallel_loop3A_72 {strides = array<i32>} : memref<16x512xf32, #tpu.memory_space<vmem>>, vector<1x16xf32>,
      %parallel_loop3A_73 = arith.index_cast %parallel_loop3A_32 : i32 to index
      %parallel_loop3A_74 = arith.constant 128 : index
      %parallel_loop3A_75 = tpu.vector_load %arg10[%parallel_loop3A_73, %parallel_loop3A_74] {strides = array<i32>} : memref<16x512xf32, #tpu.memory_space<vmem>>, vector<1x16xf32>,
      %parallel_loop3A_76 = vector.shape_cast %parallel_loop3A_75 : vector<1x16xf32> to vector<16xf32>
      %parallel_loop3A_77 = vector.shape_cast %broadcast_in_dim3A_3 : vector<16xf32> to vector<1x16xf32>
      tpu.vector_store %arg10[%parallel_loop3A_73, %parallel_loop3A_74], %parallel_loop3A_77 {strides = array<i32>} : memref<16x512xf32, #tpu.memory_space<vmem>>, vector<1x16xf32>,
      %parallel_loop3A_78 = arith.index_cast %parallel_loop3A_32 : i32 to index
      %parallel_loop3A_79 = arith.constant 144 : index
      %parallel_loop3A_80 = tpu.vector_load %arg10[%parallel_loop3A_78, %parallel_loop3A_79] {strides = array<i32>} : memref<16x512xf32, #tpu.memory_space<vmem>>, vector<1x16xf32>,
      %parallel_loop3A_81 = vector.shape_cast %parallel_loop3A_80 : vector<1x16xf32> to vector<16xf32>
      %parallel_loop3A_82 = vector.shape_cast %broadcast_in_dim3A_3 : vector<16xf32> to vector<1x16xf32>
      tpu.vector_store %arg10[%parallel_loop3A_78, %parallel_loop3A_79], %parallel_loop3A_82 {strides = array<i32>} : memref<16x512xf32, #tpu.memory_space<vmem>>, vector<1x16xf32>,
      %parallel_loop3A_83 = arith.index_cast %parallel_loop3A_32 : i32 to index
      %parallel_loop3A_84 = arith.constant 160 : index
      %parallel_loop3A_85 = tpu.vector_load %arg10[%parallel_loop3A_83, %parallel_loop3A_84] {strides = array<i32>} : memref<16x512xf32, #tpu.memory_space<vmem>>, vector<1x16xf32>,
      %parallel_loop3A_86 = vector.shape_cast %parallel_loop3A_85 : vector<1x16xf32> to vector<16xf32>
      %parallel_loop3A_87 = vector.shape_cast %broadcast_in_dim3A_3 : vector<16xf32> to vector<1x16xf32>
      tpu.vector_store %arg10[%parallel_loop3A_83, %parallel_loop3A_84], %parallel_loop3A_87 {strides = array<i32>} : memref<16x512xf32, #tpu.memory_space<vmem>>, vector<1x16xf32>,
      %parallel_loop3A_88 = arith.index_cast %parallel_loop3A_32 : i32 to index
      %parallel_loop3A_89 = arith.constant 176 : index
      %parallel_loop3A_90 = tpu.vector_load %arg10[%parallel_loop3A_88, %parallel_loop3A_89] {strides = array<i32>} : memref<16x512xf32, #tpu.memory_space<vmem>>, vector<1x16xf32>,
      %parallel_loop3A_91 = vector.shape_cast %parallel_loop3A_90 : vector<1x16xf32> to vector<16xf32>
      %parallel_loop3A_92 = vector.shape_cast %broadcast_in_dim3A_3 : vector<16xf32> to vector<1x16xf32>
      tpu.vector_store %arg10[%parallel_loop3A_88, %parallel_loop3A_89], %parallel_loop3A_92 {strides = array<i32>} : memref<16x512xf32, #tpu.memory_space<vmem>>, vector<1x16xf32>,
      %parallel_loop3A_93 = arith.index_cast %parallel_loop3A_32 : i32 to index
      %parallel_loop3A_94 = arith.constant 192 : index
      %parallel_loop3A_95 = tpu.vector_load %arg10[%parallel_loop3A_93, %parallel_loop3A_94] {strides = array<i32>} : memref<16x512xf32, #tpu.memory_space<vmem>>, vector<1x16xf32>,
      %parallel_loop3A_96 = vector.shape_cast %parallel_loop3A_95 : vector<1x16xf32> to vector<16xf32>
      %parallel_loop3A_97 = vector.shape_cast %broadcast_in_dim3A_3 : vector<16xf32> to vector<1x16xf32>
      tpu.vector_store %arg10[%parallel_loop3A_93, %parallel_loop3A_94], %parallel_loop3A_97 {strides = array<i32>} : memref<16x512xf32, #tpu.memory_space<vmem>>, vector<1x16xf32>,
      %parallel_loop3A_98 = arith.index_cast %parallel_loop3A_32 : i32 to index
      %parallel_loop3A_99 = arith.constant 208 : index
      %parallel_loop3A_100 = tpu.vector_load %arg10[%parallel_loop3A_98, %parallel_loop3A_99] {strides = array<i32>} : memref<16x512xf32, #tpu.memory_space<vmem>>, vector<1x16xf32>,
      %parallel_loop3A_101 = vector.shape_cast %parallel_loop3A_100 : vector<1x16xf32> to vector<16xf32>
      %parallel_loop3A_102 = vector.shape_cast %broadcast_in_dim3A_3 : vector<16xf32> to vector<1x16xf32>
      tpu.vector_store %arg10[%parallel_loop3A_98, %parallel_loop3A_99], %parallel_loop3A_102 {strides = array<i32>} : memref<16x512xf32, #tpu.memory_space<vmem>>, vector<1x16xf32>,
      %parallel_loop3A_103 = arith.index_cast %parallel_loop3A_32 : i32 to index
      %parallel_loop3A_104 = arith.constant 224 : index
      %parallel_loop3A_105 = tpu.vector_load %arg10[%parallel_loop3A_103, %parallel_loop3A_104] {strides = array<i32>} : memref<16x512xf32, #tpu.memory_space<vmem>>, vector<1x16xf32>,
      %parallel_loop3A_106 = vector.shape_cast %parallel_loop3A_105 : vector<1x16xf32> to vector<16xf32>
      %parallel_loop3A_107 = vector.shape_cast %broadcast_in_dim3A_3 : vector<16xf32> to vector<1x16xf32>
      tpu.vector_store %arg10[%parallel_loop3A_103, %parallel_loop3A_104], %parallel_loop3A_107 {strides = array<i32>} : memref<16x512xf32, #tpu.memory_space<vmem>>, vector<1x16xf32>,
      %parallel_loop3A_108 = arith.index_cast %parallel_loop3A_32 : i32 to index
      %parallel_loop3A_109 = arith.constant 240 : index
      %parallel_loop3A_110 = tpu.vector_load %arg10[%parallel_loop3A_108, %parallel_loop3A_109] {strides = array<i32>} : memref<16x512xf32, #tpu.memory_space<vmem>>, vector<1x16xf32>,
      %parallel_loop3A_111 = vector.shape_cast %parallel_loop3A_110 : vector<1x16xf32> to vector<16xf32>
      %parallel_loop3A_112 = vector.shape_cast %broadcast_in_dim3A_3 : vector<16xf32> to vector<1x16xf32>
      tpu.vector_store %arg10[%parallel_loop3A_108, %parallel_loop3A_109], %parallel_loop3A_112 {strides = array<i32>} : memref<16x512xf32, #tpu.memory_space<vmem>>, vector<1x16xf32>,
      %parallel_loop3A_113 = arith.index_cast %parallel_loop3A_32 : i32 to index
      %parallel_loop3A_114 = arith.constant 256 : index
      %parallel_loop3A_115 = tpu.vector_load %arg10[%parallel_loop3A_113, %parallel_loop3A_114] {strides = array<i32>} : memref<16x512xf32, #tpu.memory_space<vmem>>, vector<1x16xf32>,
      %parallel_loop3A_116 = vector.shape_cast %parallel_loop3A_115 : vector<1x16xf32> to vector<16xf32>
      %parallel_loop3A_117 = vector.shape_cast %broadcast_in_dim3A_3 : vector<16xf32> to vector<1x16xf32>
      tpu.vector_store %arg10[%parallel_loop3A_113, %parallel_loop3A_114], %parallel_loop3A_117 {strides = array<i32>} : memref<16x512xf32, #tpu.memory_space<vmem>>, vector<1x16xf32>,
      %parallel_loop3A_118 = arith.index_cast %parallel_loop3A_32 : i32 to index
      %parallel_loop3A_119 = arith.constant 272 : index
      %parallel_loop3A_120 = tpu.vector_load %arg10[%parallel_loop3A_118, %parallel_loop3A_119] {strides = array<i32>} : memref<16x512xf32, #tpu.memory_space<vmem>>, vector<1x16xf32>,
      %parallel_loop3A_121 = vector.shape_cast %parallel_loop3A_120 : vector<1x16xf32> to vector<16xf32>
      %parallel_loop3A_122 = vector.shape_cast %broadcast_in_dim3A_3 : vector<16xf32> to vector<1x16xf32>
      tpu.vector_store %arg10[%parallel_loop3A_118, %parallel_loop3A_119], %parallel_loop3A_122 {strides = array<i32>} : memref<16x512xf32, #tpu.memory_space<vmem>>, vector<1x16xf32>,
      %parallel_loop3A_123 = arith.index_cast %parallel_loop3A_32 : i32 to index
      %parallel_loop3A_124 = arith.constant 288 : index
      %parallel_loop3A_125 = tpu.vector_load %arg10[%parallel_loop3A_123, %parallel_loop3A_124] {strides = array<i32>} : memref<16x512xf32, #tpu.memory_space<vmem>>, vector<1x16xf32>,
      %parallel_loop3A_126 = vector.shape_cast %parallel_loop3A_125 : vector<1x16xf32> to vector<16xf32>
      %parallel_loop3A_127 = vector.shape_cast %broadcast_in_dim3A_3 : vector<16xf32> to vector<1x16xf32>
      tpu.vector_store %arg10[%parallel_loop3A_123, %parallel_loop3A_124], %parallel_loop3A_127 {strides = array<i32>} : memref<16x512xf32, #tpu.memory_space<vmem>>, vector<1x16xf32>,
      %parallel_loop3A_128 = arith.index_cast %parallel_loop3A_32 : i32 to index
      %parallel_loop3A_129 = arith.constant 304 : index
      %parallel_loop3A_130 = tpu.vector_load %arg10[%parallel_loop3A_128, %parallel_loop3A_129] {strides = array<i32>} : memref<16x512xf32, #tpu.memory_space<vmem>>, vector<1x16xf32>,
      %parallel_loop3A_131 = vector.shape_cast %parallel_loop3A_130 : vector<1x16xf32> to vector<16xf32>
      %parallel_loop3A_132 = vector.shape_cast %broadcast_in_dim3A_3 : vector<16xf32> to vector<1x16xf32>
      tpu.vector_store %arg10[%parallel_loop3A_128, %parallel_loop3A_129], %parallel_loop3A_132 {strides = array<i32>} : memref<16x512xf32, #tpu.memory_space<vmem>>, vector<1x16xf32>,
      %parallel_loop3A_133 = arith.index_cast %parallel_loop3A_32 : i32 to index
      %parallel_loop3A_134 = arith.constant 320 : index
      %parallel_loop3A_135 = tpu.vector_load %arg10[%parallel_loop3A_133, %parallel_loop3A_134] {strides = array<i32>} : memref<16x512xf32, #tpu.memory_space<vmem>>, vector<1x16xf32>,
      %parallel_loop3A_136 = vector.shape_cast %parallel_loop3A_135 : vector<1x16xf32> to vector<16xf32>
      %parallel_loop3A_137 = vector.shape_cast %broadcast_in_dim3A_3 : vector<16xf32> to vector<1x16xf32>
      tpu.vector_store %arg10[%parallel_loop3A_133, %parallel_loop3A_134], %parallel_loop3A_137 {strides = array<i32>} : memref<16x512xf32, #tpu.memory_space<vmem>>, vector<1x16xf32>,
      %parallel_loop3A_138 = arith.index_cast %parallel_loop3A_32 : i32 to index
      %parallel_loop3A_139 = arith.constant 336 : index
      %parallel_loop3A_140 = tpu.vector_load %arg10[%parallel_loop3A_138, %parallel_loop3A_139] {strides = array<i32>} : memref<16x512xf32, #tpu.memory_space<vmem>>, vector<1x16xf32>,
      %parallel_loop3A_141 = vector.shape_cast %parallel_loop3A_140 : vector<1x16xf32> to vector<16xf32>
      %parallel_loop3A_142 = vector.shape_cast %broadcast_in_dim3A_3 : vector<16xf32> to vector<1x16xf32>
      tpu.vector_store %arg10[%parallel_loop3A_138, %parallel_loop3A_139], %parallel_loop3A_142 {strides = array<i32>} : memref<16x512xf32, #tpu.memory_space<vmem>>, vector<1x16xf32>,
      %parallel_loop3A_143 = arith.index_cast %parallel_loop3A_32 : i32 to index
      %parallel_loop3A_144 = arith.constant 352 : index
      %parallel_loop3A_145 = tpu.vector_load %arg10[%parallel_loop3A_143, %parallel_loop3A_144] {strides = array<i32>} : memref<16x512xf32, #tpu.memory_space<vmem>>, vector<1x16xf32>,
      %parallel_loop3A_146 = vector.shape_cast %parallel_loop3A_145 : vector<1x16xf32> to vector<16xf32>
      %parallel_loop3A_147 = vector.shape_cast %broadcast_in_dim3A_3 : vector<16xf32> to vector<1x16xf32>
      tpu.vector_store %arg10[%parallel_loop3A_143, %parallel_loop3A_144], %parallel_loop3A_147 {strides = array<i32>} : memref<16x512xf32, #tpu.memory_space<vmem>>, vector<1x16xf32>,
      %parallel_loop3A_148 = arith.index_cast %parallel_loop3A_32 : i32 to index
      %parallel_loop3A_149 = arith.constant 368 : index
      %parallel_loop3A_150 = tpu.vector_load %arg10[%parallel_loop3A_148, %parallel_loop3A_149] {strides = array<i32>} : memref<16x512xf32, #tpu.memory_space<vmem>>, vector<1x16xf32>,
      %parallel_loop3A_151 = vector.shape_cast %parallel_loop3A_150 : vector<1x16xf32> to vector<16xf32>
      %parallel_loop3A_152 = vector.shape_cast %broadcast_in_dim3A_3 : vector<16xf32> to vector<1x16xf32>
      tpu.vector_store %arg10[%parallel_loop3A_148, %parallel_loop3A_149], %parallel_loop3A_152 {strides = array<i32>} : memref<16x512xf32, #tpu.memory_space<vmem>>, vector<1x16xf32>,
      %parallel_loop3A_153 = arith.index_cast %parallel_loop3A_32 : i32 to index
      %parallel_loop3A_154 = arith.constant 384 : index
      %parallel_loop3A_155 = tpu.vector_load %arg10[%parallel_loop3A_153, %parallel_loop3A_154] {strides = array<i32>} : memref<16x512xf32, #tpu.memory_space<vmem>>, vector<1x16xf32>,
      %parallel_loop3A_156 = vector.shape_cast %parallel_loop3A_155 : vector<1x16xf32> to vector<16xf32>
      %parallel_loop3A_157 = vector.shape_cast %broadcast_in_dim3A_3 : vector<16xf32> to vector<1x16xf32>
      tpu.vector_store %arg10[%parallel_loop3A_153, %parallel_loop3A_154], %parallel_loop3A_157 {strides = array<i32>} : memref<16x512xf32, #tpu.memory_space<vmem>>, vector<1x16xf32>,
      %parallel_loop3A_158 = arith.index_cast %parallel_loop3A_32 : i32 to index
      %parallel_loop3A_159 = arith.constant 400 : index
      %parallel_loop3A_160 = tpu.vector_load %arg10[%parallel_loop3A_158, %parallel_loop3A_159] {strides = array<i32>} : memref<16x512xf32, #tpu.memory_space<vmem>>, vector<1x16xf32>,
      %parallel_loop3A_161 = vector.shape_cast %parallel_loop3A_160 : vector<1x16xf32> to vector<16xf32>
      %parallel_loop3A_162 = vector.shape_cast %broadcast_in_dim3A_3 : vector<16xf32> to vector<1x16xf32>
      tpu.vector_store %arg10[%parallel_loop3A_158, %parallel_loop3A_159], %parallel_loop3A_162 {strides = array<i32>} : memref<16x512xf32, #tpu.memory_space<vmem>>, vector<1x16xf32>,
      %parallel_loop3A_163 = arith.index_cast %parallel_loop3A_32 : i32 to index
      %parallel_loop3A_164 = arith.constant 416 : index
      %parallel_loop3A_165 = tpu.vector_load %arg10[%parallel_loop3A_163, %parallel_loop3A_164] {strides = array<i32>} : memref<16x512xf32, #tpu.memory_space<vmem>>, vector<1x16xf32>,
      %parallel_loop3A_166 = vector.shape_cast %parallel_loop3A_165 : vector<1x16xf32> to vector<16xf32>
      %parallel_loop3A_167 = vector.shape_cast %broadcast_in_dim3A_3 : vector<16xf32> to vector<1x16xf32>
      tpu.vector_store %arg10[%parallel_loop3A_163, %parallel_loop3A_164], %parallel_loop3A_167 {strides = array<i32>} : memref<16x512xf32, #tpu.memory_space<vmem>>, vector<1x16xf32>,
      %parallel_loop3A_168 = arith.index_cast %parallel_loop3A_32 : i32 to index
      %parallel_loop3A_169 = arith.constant 432 : index
      %parallel_loop3A_170 = tpu.vector_load %arg10[%parallel_loop3A_168, %parallel_loop3A_169] {strides = array<i32>} : memref<16x512xf32, #tpu.memory_space<vmem>>, vector<1x16xf32>,
      %parallel_loop3A_171 = vector.shape_cast %parallel_loop3A_170 : vector<1x16xf32> to vector<16xf32>
      %parallel_loop3A_172 = vector.shape_cast %broadcast_in_dim3A_3 : vector<16xf32> to vector<1x16xf32>
      tpu.vector_store %arg10[%parallel_loop3A_168, %parallel_loop3A_169], %parallel_loop3A_172 {strides = array<i32>} : memref<16x512xf32, #tpu.memory_space<vmem>>, vector<1x16xf32>,
      %parallel_loop3A_173 = arith.index_cast %parallel_loop3A_32 : i32 to index
      %parallel_loop3A_174 = arith.constant 448 : index
      %parallel_loop3A_175 = tpu.vector_load %arg10[%parallel_loop3A_173, %parallel_loop3A_174] {strides = array<i32>} : memref<16x512xf32, #tpu.memory_space<vmem>>, vector<1x16xf32>,
      %parallel_loop3A_176 = vector.shape_cast %parallel_loop3A_175 : vector<1x16xf32> to vector<16xf32>
      %parallel_loop3A_177 = vector.shape_cast %broadcast_in_dim3A_3 : vector<16xf32> to vector<1x16xf32>
      tpu.vector_store %arg10[%parallel_loop3A_173, %parallel_loop3A_174], %parallel_loop3A_177 {strides = array<i32>} : memref<16x512xf32, #tpu.memory_space<vmem>>, vector<1x16xf32>,
      %parallel_loop3A_178 = arith.index_cast %parallel_loop3A_32 : i32 to index
      %parallel_loop3A_179 = arith.constant 464 : index
      %parallel_loop3A_180 = tpu.vector_load %arg10[%parallel_loop3A_178, %parallel_loop3A_179] {strides = array<i32>} : memref<16x512xf32, #tpu.memory_space<vmem>>, vector<1x16xf32>,
      %parallel_loop3A_181 = vector.shape_cast %parallel_loop3A_180 : vector<1x16xf32> to vector<16xf32>
      %parallel_loop3A_182 = vector.shape_cast %broadcast_in_dim3A_3 : vector<16xf32> to vector<1x16xf32>
      tpu.vector_store %arg10[%parallel_loop3A_178, %parallel_loop3A_179], %parallel_loop3A_182 {strides = array<i32>} : memref<16x512xf32, #tpu.memory_space<vmem>>, vector<1x16xf32>,
      %parallel_loop3A_183 = arith.index_cast %parallel_loop3A_32 : i32 to index
      %parallel_loop3A_184 = arith.constant 480 : index
      %parallel_loop3A_185 = tpu.vector_load %arg10[%parallel_loop3A_183, %parallel_loop3A_184] {strides = array<i32>} : memref<16x512xf32, #tpu.memory_space<vmem>>, vector<1x16xf32>,
      %parallel_loop3A_186 = vector.shape_cast %parallel_loop3A_185 : vector<1x16xf32> to vector<16xf32>
      %parallel_loop3A_187 = vector.shape_cast %broadcast_in_dim3A_3 : vector<16xf32> to vector<1x16xf32>
      tpu.vector_store %arg10[%parallel_loop3A_183, %parallel_loop3A_184], %parallel_loop3A_187 {strides = array<i32>} : memref<16x512xf32, #tpu.memory_space<vmem>>, vector<1x16xf32>,
      %parallel_loop3A_188 = arith.index_cast %parallel_loop3A_32 : i32 to index
      %parallel_loop3A_189 = arith.constant 496 : index
      %parallel_loop3A_190 = tpu.vector_load %arg10[%parallel_loop3A_188, %parallel_loop3A_189] {strides = array<i32>} : memref<16x512xf32, #tpu.memory_space<vmem>>, vector<1x16xf32>,
      %parallel_loop3A_191 = vector.shape_cast %parallel_loop3A_190 : vector<1x16xf32> to vector<16xf32>
      %parallel_loop3A_192 = vector.shape_cast %broadcast_in_dim3A_3 : vector<16xf32> to vector<1x16xf32>
      tpu.vector_store %arg10[%parallel_loop3A_188, %parallel_loop3A_189], %parallel_loop3A_192 {strides = array<i32>} : memref<16x512xf32, #tpu.memory_space<vmem>>, vector<1x16xf32>,
    } {sc.loop_unroll_factor = 1 : i64, sc.parallel_access}
    "tpu.region"() ({
      %run_scoped3A = tpu.sem_alloc : memref<!tpu.dma_semaphore, #tpu.memory_space<semaphore_mem>>
      %dma_start3A_32 = tpu.memref_slice %arg3[%mul3A_2] : memref<4096xi32, #tpu.memory_space<hbm>> -> memref<128xi32, #tpu.memory_space<hbm>>
      %dma_start3A_33 = tpu.memref_slice %arg3[%mul3A_2] : memref<4096xi32, #tpu.memory_space<hbm>> -> memref<128xi32, #tpu.memory_space<hbm>>
      tpu.enqueue_dma source(%dma_start3A_33 : memref<128xi32, #tpu.memory_space<hbm>>) target(%arg7 : memref<128xi32, #tpu.memory_space<vmem>>) target_semaphore(%run_scoped3A : memref<!tpu.dma_semaphore, #tpu.memory_space<semaphore_mem>>)
      %dma_wait3A = tpu.memref_slice %arg3[%mul3A_2] : memref<4096xi32, #tpu.memory_space<hbm>> -> memref<128xi32, #tpu.memory_space<hbm>>
      %dma_wait3A_34 = tpu.memref_slice %arg3[%mul3A_2] : memref<4096xi32, #tpu.memory_space<hbm>> -> memref<128xi32, #tpu.memory_space<hbm>>
      tpu.wait_dma2 semaphore(%run_scoped3A : memref<!tpu.dma_semaphore, #tpu.memory_space<semaphore_mem>>) src(%dma_wait3A_34 : memref<128xi32, #tpu.memory_space<hbm>>) dst(%arg7 : memref<128xi32, #tpu.memory_space<vmem>>)
      tpu.yield
    }) : () -> ()
    "tpu.region"() ({
      %run_scoped3A = tpu.sem_alloc : memref<!tpu.dma_semaphore, #tpu.memory_space<semaphore_mem>>
      %dma_start3A_32 = tpu.memref_slice %arg4[%mul3A_2] : memref<4096xi32, #tpu.memory_space<hbm>> -> memref<128xi32, #tpu.memory_space<hbm>>
      %dma_start3A_33 = tpu.memref_slice %arg4[%mul3A_2] : memref<4096xi32, #tpu.memory_space<hbm>> -> memref<128xi32, #tpu.memory_space<hbm>>
      tpu.enqueue_dma source(%dma_start3A_33 : memref<128xi32, #tpu.memory_space<hbm>>) target(%arg8 : memref<128xi32, #tpu.memory_space<vmem>>) target_semaphore(%run_scoped3A : memref<!tpu.dma_semaphore, #tpu.memory_space<semaphore_mem>>)
      %dma_wait3A = tpu.memref_slice %arg4[%mul3A_2] : memref<4096xi32, #tpu.memory_space<hbm>> -> memref<128xi32, #tpu.memory_space<hbm>>
      %dma_wait3A_34 = tpu.memref_slice %arg4[%mul3A_2] : memref<4096xi32, #tpu.memory_space<hbm>> -> memref<128xi32, #tpu.memory_space<hbm>>
      tpu.wait_dma2 semaphore(%run_scoped3A : memref<!tpu.dma_semaphore, #tpu.memory_space<semaphore_mem>>) src(%dma_wait3A_34 : memref<128xi32, #tpu.memory_space<hbm>>) dst(%arg8 : memref<128xi32, #tpu.memory_space<vmem>>)
      tpu.yield
    }) : () -> ()
    %parallel_loop3A_6 = arith.constant 0 : i32
    %parallel_loop3A_7 = arith.constant 8 : i32
    %parallel_loop3A_8 = arith.constant 1 : i32
    scf.for %parallel_loop3A_32 = %parallel_loop3A_6 to %parallel_loop3A_7 step %parallel_loop3A_8  : i32 {
      %parallel_loop3A_33 = arith.constant 16 : i32
      %parallel_loop3A_34 = arith.muli %parallel_loop3A_32, %parallel_loop3A_33 : i32
      %parallel_loop3A_35 = arith.index_cast %parallel_loop3A_34 : i32 to index
      %parallel_loop3A_36 = tpu.vector_load %arg7[%parallel_loop3A_35] {strides = array<i32>} : memref<128xi32, #tpu.memory_space<vmem>>, vector<16xi32>,
      %parallel_loop3A_37 = vector.shape_cast %parallel_loop3A_36 : vector<16xi32> to vector<16xi32>
      %parallel_loop3A_38 = arith.constant 4 : i32
      %parallel_loop3A_39 = vector.broadcast %parallel_loop3A_38 : i32 to vector<16xi32>
      %parallel_loop3A_40 = arith.muli %parallel_loop3A_37, %parallel_loop3A_39 : vector<16xi32>
      %parallel_loop3A_41 = arith.index_cast %parallel_loop3A_34 : i32 to index
      %parallel_loop3A_42 = tpu.vector_load %arg8[%parallel_loop3A_41] {strides = array<i32>} : memref<128xi32, #tpu.memory_space<vmem>>, vector<16xi32>,
      %parallel_loop3A_43 = vector.shape_cast %parallel_loop3A_42 : vector<16xi32> to vector<16xi32>
      %parallel_loop3A_44 = arith.addi %parallel_loop3A_40, %parallel_loop3A_43 : vector<16xi32>
      %parallel_loop3A_45 = arith.index_cast %parallel_loop3A_34 : i32 to index
      %parallel_loop3A_46 = tpu.vector_load %arg9[%parallel_loop3A_45] {strides = array<i32>} : memref<144xi32, #tpu.memory_space<vmem>>, vector<16xi32>,
      %parallel_loop3A_47 = vector.shape_cast %parallel_loop3A_46 : vector<16xi32> to vector<16xi32>
      %parallel_loop3A_48 = vector.shape_cast %parallel_loop3A_44 : vector<16xi32> to vector<16xi32>
      tpu.vector_store %arg9[%parallel_loop3A_45], %parallel_loop3A_48 {strides = array<i32>} : memref<144xi32, #tpu.memory_space<vmem>>, vector<16xi32>,
    } {sc.loop_unroll_factor = 2 : i64, sc.parallel_access}
    %rem3A = arith.constant 0 : i32
    %rem3A_9 = arith.constant 2 : i32
    %rem3A_10 = arith.remsi %rem3A, %rem3A_9 : i32
    %add3A_11 = arith.constant 0 : i32
    %add3A_12 = arith.addi %mul3A_2, %add3A_11 : i32
    %dma_start3A = arith.constant 0 : i32
    %dma_start3A_13 = arith.constant 0 : i32
    %dma_start3A_14 = tpu.memref_slice %arg6[%rem3A_10, %dma_start3A, %dma_start3A_13] : memref<2x64x512xf32, #tpu.memory_space<vmem>> -> memref<1x64x512xf32, #tpu.memory_space<vmem>>
    %dma_start3A_15 = tpu.memref_squeeze %dma_start3A_14 : memref<1x64x512xf32, #tpu.memory_space<vmem>> -> memref<64x512xf32, #tpu.memory_space<vmem>>
    %dma_start3A_16 = arith.constant 0 : i32
    %dma_start3A_17 = tpu.memref_slice %arg2[%add3A_12, %dma_start3A_16] : memref<4096x512xf32, #tpu.memory_space<hbm>> -> memref<64x512xf32, #tpu.memory_space<hbm>>
    %dma_start3A_18 = tpu.memref_slice %arg11[%rem3A_10] : memref<2x!tpu.dma_semaphore, #tpu.memory_space<semaphore_mem>> -> memref<1x!tpu.dma_semaphore, #tpu.memory_space<semaphore_mem>>
    %dma_start3A_19 = tpu.memref_squeeze %dma_start3A_18 : memref<1x!tpu.dma_semaphore, #tpu.memory_space<semaphore_mem>> -> memref<!tpu.dma_semaphore, #tpu.memory_space<semaphore_mem>>
    %dma_start3A_20 = arith.constant 0 : i32
    %dma_start3A_21 = arith.constant 0 : i32
    %dma_start3A_22 = tpu.memref_slice %arg6[%rem3A_10, %dma_start3A_20, %dma_start3A_21] : memref<2x64x512xf32, #tpu.memory_space<vmem>> -> memref<1x64x512xf32, #tpu.memory_space<vmem>>
    %dma_start3A_23 = tpu.memref_squeeze %dma_start3A_22 : memref<1x64x512xf32, #tpu.memory_space<vmem>> -> memref<64x512xf32, #tpu.memory_space<vmem>>
    %dma_start3A_24 = arith.constant 0 : i32
    %dma_start3A_25 = tpu.memref_slice %arg2[%add3A_12, %dma_start3A_24] : memref<4096x512xf32, #tpu.memory_space<hbm>> -> memref<64x512xf32, #tpu.memory_space<hbm>>
    tpu.enqueue_dma source(%dma_start3A_25 : memref<64x512xf32, #tpu.memory_space<hbm>>) target(%dma_start3A_23 : memref<64x512xf32, #tpu.memory_space<vmem>>) target_semaphore(%dma_start3A_19 : memref<!tpu.dma_semaphore, #tpu.memory_space<semaphore_mem>>)
    %scan3A = arith.constant 0 : i32
    %scan3A_26 = arith.constant 0 : i32
    %scan3A_27 = arith.constant 2 : i32
    %scan3A_28 = arith.addi %scan3A_26, %scan3A_27 : i32
    %scan3A_29 = arith.constant 1 : i32
    %scan3A_30 = scf.for %scan3A_32 = %scan3A_26 to %scan3A_28 step %scan3A_29 iter_args(%scan3A_33 = %scan3A) -> (i32)  : i32 {
      %rem3A_34 = arith.constant 2 : i32
      %rem3A_35 = arith.remsi %scan3A_32, %rem3A_34 : i32
      %add3A_36 = arith.constant 1 : i32
      %add3A_37 = arith.addi %scan3A_32, %add3A_36 : i32
      %lt3A = arith.constant 2 : i32
      %lt3A_38 = arith.cmpi slt, %add3A_37, %lt3A : i32
      %convert_element_type3A = arith.extui %lt3A_38 : i1 to i32
      %cond3A = arith.constant 0 : i32
      %cond3A_39 = arith.cmpi ne, %convert_element_type3A, %cond3A : i32
      scf.if %cond3A_39 {
        %add3A_62 = arith.constant 1 : i32
        %add3A_63 = arith.addi %scan3A_32, %add3A_62 : i32
        %rem3A_64 = arith.constant 2 : i32
        %rem3A_65 = arith.remsi %add3A_63, %rem3A_64 : i32
        %mul3A_66 = arith.constant 64 : i32
        %mul3A_67 = arith.muli %add3A_63, %mul3A_66 : i32
        %add3A_68 = arith.addi %mul3A_2, %mul3A_67 : i32
        %dma_start3A_69 = arith.constant 0 : i32
        %dma_start3A_70 = arith.constant 0 : i32
        %dma_start3A_71 = tpu.memref_slice %arg6[%rem3A_65, %dma_start3A_69, %dma_start3A_70] : memref<2x64x512xf32, #tpu.memory_space<vmem>> -> memref<1x64x512xf32, #tpu.memory_space<vmem>>
        %dma_start3A_72 = tpu.memref_squeeze %dma_start3A_71 : memref<1x64x512xf32, #tpu.memory_space<vmem>> -> memref<64x512xf32, #tpu.memory_space<vmem>>
        %dma_start3A_73 = arith.constant 0 : i32
        %dma_start3A_74 = tpu.memref_slice %arg2[%add3A_68, %dma_start3A_73] : memref<4096x512xf32, #tpu.memory_space<hbm>> -> memref<64x512xf32, #tpu.memory_space<hbm>>
        %dma_start3A_75 = tpu.memref_slice %arg11[%rem3A_65] : memref<2x!tpu.dma_semaphore, #tpu.memory_space<semaphore_mem>> -> memref<1x!tpu.dma_semaphore, #tpu.memory_space<semaphore_mem>>
        %dma_start3A_76 = tpu.memref_squeeze %dma_start3A_75 : memref<1x!tpu.dma_semaphore, #tpu.memory_space<semaphore_mem>> -> memref<!tpu.dma_semaphore, #tpu.memory_space<semaphore_mem>>
        %dma_start3A_77 = arith.constant 0 : i32
        %dma_start3A_78 = arith.constant 0 : i32
        %dma_start3A_79 = tpu.memref_slice %arg6[%rem3A_65, %dma_start3A_77, %dma_start3A_78] : memref<2x64x512xf32, #tpu.memory_space<vmem>> -> memref<1x64x512xf32, #tpu.memory_space<vmem>>
        %dma_start3A_80 = tpu.memref_squeeze %dma_start3A_79 : memref<1x64x512xf32, #tpu.memory_space<vmem>> -> memref<64x512xf32, #tpu.memory_space<vmem>>
        %dma_start3A_81 = arith.constant 0 : i32
        %dma_start3A_82 = tpu.memref_slice %arg2[%add3A_68, %dma_start3A_81] : memref<4096x512xf32, #tpu.memory_space<hbm>> -> memref<64x512xf32, #tpu.memory_space<hbm>>
        tpu.enqueue_dma source(%dma_start3A_82 : memref<64x512xf32, #tpu.memory_space<hbm>>) target(%dma_start3A_80 : memref<64x512xf32, #tpu.memory_space<vmem>>) target_semaphore(%dma_start3A_76 : memref<!tpu.dma_semaphore, #tpu.memory_space<semaphore_mem>>)
      } else {
      }
      %rem3A_40 = arith.constant 2 : i32
      %rem3A_41 = arith.remsi %scan3A_32, %rem3A_40 : i32
      %mul3A_42 = arith.constant 64 : i32
      %mul3A_43 = arith.muli %scan3A_32, %mul3A_42 : i32
      %add3A_44 = arith.addi %mul3A_2, %mul3A_43 : i32
      %dma_wait3A = arith.constant 0 : i32
      %dma_wait3A_45 = arith.constant 0 : i32
      %dma_wait3A_46 = tpu.memref_slice %arg6[%rem3A_41, %dma_wait3A, %dma_wait3A_45] : memref<2x64x512xf32, #tpu.memory_space<vmem>> -> memref<1x64x512xf32, #tpu.memory_space<vmem>>
      %dma_wait3A_47 = tpu.memref_squeeze %dma_wait3A_46 : memref<1x64x512xf32, #tpu.memory_space<vmem>> -> memref<64x512xf32, #tpu.memory_space<vmem>>
      %dma_wait3A_48 = arith.constant 0 : i32
      %dma_wait3A_49 = tpu.memref_slice %arg2[%add3A_44, %dma_wait3A_48] : memref<4096x512xf32, #tpu.memory_space<hbm>> -> memref<64x512xf32, #tpu.memory_space<hbm>>
      %dma_wait3A_50 = tpu.memref_slice %arg11[%rem3A_41] : memref<2x!tpu.dma_semaphore, #tpu.memory_space<semaphore_mem>> -> memref<1x!tpu.dma_semaphore, #tpu.memory_space<semaphore_mem>>
      %dma_wait3A_51 = tpu.memref_squeeze %dma_wait3A_50 : memref<1x!tpu.dma_semaphore, #tpu.memory_space<semaphore_mem>> -> memref<!tpu.dma_semaphore, #tpu.memory_space<semaphore_mem>>
      %dma_wait3A_52 = arith.constant 0 : i32
      %dma_wait3A_53 = arith.constant 0 : i32
      %dma_wait3A_54 = tpu.memref_slice %arg6[%rem3A_41, %dma_wait3A_52, %dma_wait3A_53] : memref<2x64x512xf32, #tpu.memory_space<vmem>> -> memref<1x64x512xf32, #tpu.memory_space<vmem>>
      %dma_wait3A_55 = tpu.memref_squeeze %dma_wait3A_54 : memref<1x64x512xf32, #tpu.memory_space<vmem>> -> memref<64x512xf32, #tpu.memory_space<vmem>>
      %dma_wait3A_56 = arith.constant 0 : i32
      %dma_wait3A_57 = tpu.memref_slice %arg2[%add3A_44, %dma_wait3A_56] : memref<4096x512xf32, #tpu.memory_space<hbm>> -> memref<64x512xf32, #tpu.memory_space<hbm>>
      tpu.wait_dma2 semaphore(%dma_wait3A_51 : memref<!tpu.dma_semaphore, #tpu.memory_space<semaphore_mem>>) src(%dma_wait3A_57 : memref<64x512xf32, #tpu.memory_space<hbm>>) dst(%dma_wait3A_55 : memref<64x512xf32, #tpu.memory_space<vmem>>)
      %parallel_loop3A_58 = arith.constant 0 : i32
      %parallel_loop3A_59 = arith.constant 64 : i32
      %parallel_loop3A_60 = arith.constant 1 : i32
      scf.for %parallel_loop3A_62 = %parallel_loop3A_58 to %parallel_loop3A_59 step %parallel_loop3A_60  : i32 {
        %parallel_loop3A_63 = arith.constant 64 : i32
        %parallel_loop3A_64 = arith.muli %scan3A_32, %parallel_loop3A_63 : i32
        %parallel_loop3A_65 = arith.addi %parallel_loop3A_64, %parallel_loop3A_62 : i32
        %parallel_loop3A_66 = arith.index_cast %parallel_loop3A_65 : i32 to index
        %parallel_loop3A_67 = tpu.vector_load %arg9[%parallel_loop3A_66] {strides = array<i32>} : memref<144xi32, #tpu.memory_space<vmem>>, vector<16xi32>,
        %parallel_loop3A_68 = vector.shape_cast %parallel_loop3A_67 : vector<16xi32> to vector<16xi32>
        %parallel_loop3A_69 = vector.extract_strided_slice %parallel_loop3A_68 {offsets = [0], sizes = [1], strides = [1]} : vector<16xi32> to vector<1xi32>
        %parallel_loop3A_70 = vector.extract %parallel_loop3A_69[0] : i32 from vector<1xi32>
        %parallel_loop3A_71 = arith.index_cast %rem3A_35 : i32 to index
        %parallel_loop3A_72 = arith.index_cast %parallel_loop3A_62 : i32 to index
        %parallel_loop3A_73 = arith.constant 0 : index
        %parallel_loop3A_74 = tpu.vector_load %arg6[%parallel_loop3A_71, %parallel_loop3A_72, %parallel_loop3A_73] {strides = array<i32>} : memref<2x64x512xf32, #tpu.memory_space<vmem>>, vector<1x1x16xf32>,
        %parallel_loop3A_75 = vector.shape_cast %parallel_loop3A_74 : vector<1x1x16xf32> to vector<16xf32>
        %parallel_loop3A_76 = arith.index_cast %parallel_loop3A_70 : i32 to index
        %parallel_loop3A_77 = arith.constant 0 : index
        %parallel_loop3A_78 = tpu.vector_load %arg10[%parallel_loop3A_76, %parallel_loop3A_77] {strides = array<i32>} : memref<16x512xf32, #tpu.memory_space<vmem>>, vector<1x16xf32>,
        %parallel_loop3A_79 = vector.shape_cast %parallel_loop3A_78 : vector<1x16xf32> to vector<16xf32>
        %parallel_loop3A_80 = vector.shape_cast %parallel_loop3A_75 : vector<16xf32> to vector<1x16xf32>
        tpu.vector_store %arg10[%parallel_loop3A_76, %parallel_loop3A_77], %parallel_loop3A_80 {add = true, strides = array<i32>} : memref<16x512xf32, #tpu.memory_space<vmem>>, vector<1x16xf32>,
        %parallel_loop3A_81 = arith.index_cast %rem3A_35 : i32 to index
        %parallel_loop3A_82 = arith.index_cast %parallel_loop3A_62 : i32 to index
        %parallel_loop3A_83 = arith.constant 16 : index
        %parallel_loop3A_84 = tpu.vector_load %arg6[%parallel_loop3A_81, %parallel_loop3A_82, %parallel_loop3A_83] {strides = array<i32>} : memref<2x64x512xf32, #tpu.memory_space<vmem>>, vector<1x1x16xf32>,
        %parallel_loop3A_85 = vector.shape_cast %parallel_loop3A_84 : vector<1x1x16xf32> to vector<16xf32>
        %parallel_loop3A_86 = arith.index_cast %parallel_loop3A_70 : i32 to index
        %parallel_loop3A_87 = arith.constant 16 : index
        %parallel_loop3A_88 = tpu.vector_load %arg10[%parallel_loop3A_86, %parallel_loop3A_87] {strides = array<i32>} : memref<16x512xf32, #tpu.memory_space<vmem>>, vector<1x16xf32>,
        %parallel_loop3A_89 = vector.shape_cast %parallel_loop3A_88 : vector<1x16xf32> to vector<16xf32>
        %parallel_loop3A_90 = vector.shape_cast %parallel_loop3A_85 : vector<16xf32> to vector<1x16xf32>
        tpu.vector_store %arg10[%parallel_loop3A_86, %parallel_loop3A_87], %parallel_loop3A_90 {add = true, strides = array<i32>} : memref<16x512xf32, #tpu.memory_space<vmem>>, vector<1x16xf32>,
        %parallel_loop3A_91 = arith.index_cast %rem3A_35 : i32 to index
        %parallel_loop3A_92 = arith.index_cast %parallel_loop3A_62 : i32 to index
        %parallel_loop3A_93 = arith.constant 32 : index
        %parallel_loop3A_94 = tpu.vector_load %arg6[%parallel_loop3A_91, %parallel_loop3A_92, %parallel_loop3A_93] {strides = array<i32>} : memref<2x64x512xf32, #tpu.memory_space<vmem>>, vector<1x1x16xf32>,
        %parallel_loop3A_95 = vector.shape_cast %parallel_loop3A_94 : vector<1x1x16xf32> to vector<16xf32>
        %parallel_loop3A_96 = arith.index_cast %parallel_loop3A_70 : i32 to index
        %parallel_loop3A_97 = arith.constant 32 : index
        %parallel_loop3A_98 = tpu.vector_load %arg10[%parallel_loop3A_96, %parallel_loop3A_97] {strides = array<i32>} : memref<16x512xf32, #tpu.memory_space<vmem>>, vector<1x16xf32>,
        %parallel_loop3A_99 = vector.shape_cast %parallel_loop3A_98 : vector<1x16xf32> to vector<16xf32>
        %parallel_loop3A_100 = vector.shape_cast %parallel_loop3A_95 : vector<16xf32> to vector<1x16xf32>
        tpu.vector_store %arg10[%parallel_loop3A_96, %parallel_loop3A_97], %parallel_loop3A_100 {add = true, strides = array<i32>} : memref<16x512xf32, #tpu.memory_space<vmem>>, vector<1x16xf32>,
        %parallel_loop3A_101 = arith.index_cast %rem3A_35 : i32 to index
        %parallel_loop3A_102 = arith.index_cast %parallel_loop3A_62 : i32 to index
        %parallel_loop3A_103 = arith.constant 48 : index
        %parallel_loop3A_104 = tpu.vector_load %arg6[%parallel_loop3A_101, %parallel_loop3A_102, %parallel_loop3A_103] {strides = array<i32>} : memref<2x64x512xf32, #tpu.memory_space<vmem>>, vector<1x1x16xf32>,
        %parallel_loop3A_105 = vector.shape_cast %parallel_loop3A_104 : vector<1x1x16xf32> to vector<16xf32>
        %parallel_loop3A_106 = arith.index_cast %parallel_loop3A_70 : i32 to index
        %parallel_loop3A_107 = arith.constant 48 : index
        %parallel_loop3A_108 = tpu.vector_load %arg10[%parallel_loop3A_106, %parallel_loop3A_107] {strides = array<i32>} : memref<16x512xf32, #tpu.memory_space<vmem>>, vector<1x16xf32>,
        %parallel_loop3A_109 = vector.shape_cast %parallel_loop3A_108 : vector<1x16xf32> to vector<16xf32>
        %parallel_loop3A_110 = vector.shape_cast %parallel_loop3A_105 : vector<16xf32> to vector<1x16xf32>
        tpu.vector_store %arg10[%parallel_loop3A_106, %parallel_loop3A_107], %parallel_loop3A_110 {add = true, strides = array<i32>} : memref<16x512xf32, #tpu.memory_space<vmem>>, vector<1x16xf32>,
        %parallel_loop3A_111 = arith.index_cast %rem3A_35 : i32 to index
        %parallel_loop3A_112 = arith.index_cast %parallel_loop3A_62 : i32 to index
        %parallel_loop3A_113 = arith.constant 64 : index
        %parallel_loop3A_114 = tpu.vector_load %arg6[%parallel_loop3A_111, %parallel_loop3A_112, %parallel_loop3A_113] {strides = array<i32>} : memref<2x64x512xf32, #tpu.memory_space<vmem>>, vector<1x1x16xf32>,
        %parallel_loop3A_115 = vector.shape_cast %parallel_loop3A_114 : vector<1x1x16xf32> to vector<16xf32>
        %parallel_loop3A_116 = arith.index_cast %parallel_loop3A_70 : i32 to index
        %parallel_loop3A_117 = arith.constant 64 : index
        %parallel_loop3A_118 = tpu.vector_load %arg10[%parallel_loop3A_116, %parallel_loop3A_117] {strides = array<i32>} : memref<16x512xf32, #tpu.memory_space<vmem>>, vector<1x16xf32>,
        %parallel_loop3A_119 = vector.shape_cast %parallel_loop3A_118 : vector<1x16xf32> to vector<16xf32>
        %parallel_loop3A_120 = vector.shape_cast %parallel_loop3A_115 : vector<16xf32> to vector<1x16xf32>
        tpu.vector_store %arg10[%parallel_loop3A_116, %parallel_loop3A_117], %parallel_loop3A_120 {add = true, strides = array<i32>} : memref<16x512xf32, #tpu.memory_space<vmem>>, vector<1x16xf32>,
        %parallel_loop3A_121 = arith.index_cast %rem3A_35 : i32 to index
        %parallel_loop3A_122 = arith.index_cast %parallel_loop3A_62 : i32 to index
        %parallel_loop3A_123 = arith.constant 80 : index
        %parallel_loop3A_124 = tpu.vector_load %arg6[%parallel_loop3A_121, %parallel_loop3A_122, %parallel_loop3A_123] {strides = array<i32>} : memref<2x64x512xf32, #tpu.memory_space<vmem>>, vector<1x1x16xf32>,
        %parallel_loop3A_125 = vector.shape_cast %parallel_loop3A_124 : vector<1x1x16xf32> to vector<16xf32>
        %parallel_loop3A_126 = arith.index_cast %parallel_loop3A_70 : i32 to index
        %parallel_loop3A_127 = arith.constant 80 : index
        %parallel_loop3A_128 = tpu.vector_load %arg10[%parallel_loop3A_126, %parallel_loop3A_127] {strides = array<i32>} : memref<16x512xf32, #tpu.memory_space<vmem>>, vector<1x16xf32>,
        %parallel_loop3A_129 = vector.shape_cast %parallel_loop3A_128 : vector<1x16xf32> to vector<16xf32>
        %parallel_loop3A_130 = vector.shape_cast %parallel_loop3A_125 : vector<16xf32> to vector<1x16xf32>
        tpu.vector_store %arg10[%parallel_loop3A_126, %parallel_loop3A_127], %parallel_loop3A_130 {add = true, strides = array<i32>} : memref<16x512xf32, #tpu.memory_space<vmem>>, vector<1x16xf32>,
        %parallel_loop3A_131 = arith.index_cast %rem3A_35 : i32 to index
        %parallel_loop3A_132 = arith.index_cast %parallel_loop3A_62 : i32 to index
        %parallel_loop3A_133 = arith.constant 96 : index
        %parallel_loop3A_134 = tpu.vector_load %arg6[%parallel_loop3A_131, %parallel_loop3A_132, %parallel_loop3A_133] {strides = array<i32>} : memref<2x64x512xf32, #tpu.memory_space<vmem>>, vector<1x1x16xf32>,
        %parallel_loop3A_135 = vector.shape_cast %parallel_loop3A_134 : vector<1x1x16xf32> to vector<16xf32>
        %parallel_loop3A_136 = arith.index_cast %parallel_loop3A_70 : i32 to index
        %parallel_loop3A_137 = arith.constant 96 : index
        %parallel_loop3A_138 = tpu.vector_load %arg10[%parallel_loop3A_136, %parallel_loop3A_137] {strides = array<i32>} : memref<16x512xf32, #tpu.memory_space<vmem>>, vector<1x16xf32>,
        %parallel_loop3A_139 = vector.shape_cast %parallel_loop3A_138 : vector<1x16xf32> to vector<16xf32>
        %parallel_loop3A_140 = vector.shape_cast %parallel_loop3A_135 : vector<16xf32> to vector<1x16xf32>
        tpu.vector_store %arg10[%parallel_loop3A_136, %parallel_loop3A_137], %parallel_loop3A_140 {add = true, strides = array<i32>} : memref<16x512xf32, #tpu.memory_space<vmem>>, vector<1x16xf32>,
        %parallel_loop3A_141 = arith.index_cast %rem3A_35 : i32 to index
        %parallel_loop3A_142 = arith.index_cast %parallel_loop3A_62 : i32 to index
        %parallel_loop3A_143 = arith.constant 112 : index
        %parallel_loop3A_144 = tpu.vector_load %arg6[%parallel_loop3A_141, %parallel_loop3A_142, %parallel_loop3A_143] {strides = array<i32>} : memref<2x64x512xf32, #tpu.memory_space<vmem>>, vector<1x1x16xf32>,
        %parallel_loop3A_145 = vector.shape_cast %parallel_loop3A_144 : vector<1x1x16xf32> to vector<16xf32>
        %parallel_loop3A_146 = arith.index_cast %parallel_loop3A_70 : i32 to index
        %parallel_loop3A_147 = arith.constant 112 : index
        %parallel_loop3A_148 = tpu.vector_load %arg10[%parallel_loop3A_146, %parallel_loop3A_147] {strides = array<i32>} : memref<16x512xf32, #tpu.memory_space<vmem>>, vector<1x16xf32>,
        %parallel_loop3A_149 = vector.shape_cast %parallel_loop3A_148 : vector<1x16xf32> to vector<16xf32>
        %parallel_loop3A_150 = vector.shape_cast %parallel_loop3A_145 : vector<16xf32> to vector<1x16xf32>
        tpu.vector_store %arg10[%parallel_loop3A_146, %parallel_loop3A_147], %parallel_loop3A_150 {add = true, strides = array<i32>} : memref<16x512xf32, #tpu.memory_space<vmem>>, vector<1x16xf32>,
        %parallel_loop3A_151 = arith.index_cast %rem3A_35 : i32 to index
        %parallel_loop3A_152 = arith.index_cast %parallel_loop3A_62 : i32 to index
        %parallel_loop3A_153 = arith.constant 128 : index
        %parallel_loop3A_154 = tpu.vector_load %arg6[%parallel_loop3A_151, %parallel_loop3A_152, %parallel_loop3A_153] {strides = array<i32>} : memref<2x64x512xf32, #tpu.memory_space<vmem>>, vector<1x1x16xf32>,
        %parallel_loop3A_155 = vector.shape_cast %parallel_loop3A_154 : vector<1x1x16xf32> to vector<16xf32>
        %parallel_loop3A_156 = arith.index_cast %parallel_loop3A_70 : i32 to index
        %parallel_loop3A_157 = arith.constant 128 : index
        %parallel_loop3A_158 = tpu.vector_load %arg10[%parallel_loop3A_156, %parallel_loop3A_157] {strides = array<i32>} : memref<16x512xf32, #tpu.memory_space<vmem>>, vector<1x16xf32>,
        %parallel_loop3A_159 = vector.shape_cast %parallel_loop3A_158 : vector<1x16xf32> to vector<16xf32>
        %parallel_loop3A_160 = vector.shape_cast %parallel_loop3A_155 : vector<16xf32> to vector<1x16xf32>
        tpu.vector_store %arg10[%parallel_loop3A_156, %parallel_loop3A_157], %parallel_loop3A_160 {add = true, strides = array<i32>} : memref<16x512xf32, #tpu.memory_space<vmem>>, vector<1x16xf32>,
        %parallel_loop3A_161 = arith.index_cast %rem3A_35 : i32 to index
        %parallel_loop3A_162 = arith.index_cast %parallel_loop3A_62 : i32 to index
        %parallel_loop3A_163 = arith.constant 144 : index
        %parallel_loop3A_164 = tpu.vector_load %arg6[%parallel_loop3A_161, %parallel_loop3A_162, %parallel_loop3A_163] {strides = array<i32>} : memref<2x64x512xf32, #tpu.memory_space<vmem>>, vector<1x1x16xf32>,
        %parallel_loop3A_165 = vector.shape_cast %parallel_loop3A_164 : vector<1x1x16xf32> to vector<16xf32>
        %parallel_loop3A_166 = arith.index_cast %parallel_loop3A_70 : i32 to index
        %parallel_loop3A_167 = arith.constant 144 : index
        %parallel_loop3A_168 = tpu.vector_load %arg10[%parallel_loop3A_166, %parallel_loop3A_167] {strides = array<i32>} : memref<16x512xf32, #tpu.memory_space<vmem>>, vector<1x16xf32>,
        %parallel_loop3A_169 = vector.shape_cast %parallel_loop3A_168 : vector<1x16xf32> to vector<16xf32>
        %parallel_loop3A_170 = vector.shape_cast %parallel_loop3A_165 : vector<16xf32> to vector<1x16xf32>
        tpu.vector_store %arg10[%parallel_loop3A_166, %parallel_loop3A_167], %parallel_loop3A_170 {add = true, strides = array<i32>} : memref<16x512xf32, #tpu.memory_space<vmem>>, vector<1x16xf32>,
        %parallel_loop3A_171 = arith.index_cast %rem3A_35 : i32 to index
        %parallel_loop3A_172 = arith.index_cast %parallel_loop3A_62 : i32 to index
        %parallel_loop3A_173 = arith.constant 160 : index
        %parallel_loop3A_174 = tpu.vector_load %arg6[%parallel_loop3A_171, %parallel_loop3A_172, %parallel_loop3A_173] {strides = array<i32>} : memref<2x64x512xf32, #tpu.memory_space<vmem>>, vector<1x1x16xf32>,
        %parallel_loop3A_175 = vector.shape_cast %parallel_loop3A_174 : vector<1x1x16xf32> to vector<16xf32>
        %parallel_loop3A_176 = arith.index_cast %parallel_loop3A_70 : i32 to index
        %parallel_loop3A_177 = arith.constant 160 : index
        %parallel_loop3A_178 = tpu.vector_load %arg10[%parallel_loop3A_176, %parallel_loop3A_177] {strides = array<i32>} : memref<16x512xf32, #tpu.memory_space<vmem>>, vector<1x16xf32>,
        %parallel_loop3A_179 = vector.shape_cast %parallel_loop3A_178 : vector<1x16xf32> to vector<16xf32>
        %parallel_loop3A_180 = vector.shape_cast %parallel_loop3A_175 : vector<16xf32> to vector<1x16xf32>
        tpu.vector_store %arg10[%parallel_loop3A_176, %parallel_loop3A_177], %parallel_loop3A_180 {add = true, strides = array<i32>} : memref<16x512xf32, #tpu.memory_space<vmem>>, vector<1x16xf32>,
        %parallel_loop3A_181 = arith.index_cast %rem3A_35 : i32 to index
        %parallel_loop3A_182 = arith.index_cast %parallel_loop3A_62 : i32 to index
        %parallel_loop3A_183 = arith.constant 176 : index
        %parallel_loop3A_184 = tpu.vector_load %arg6[%parallel_loop3A_181, %parallel_loop3A_182, %parallel_loop3A_183] {strides = array<i32>} : memref<2x64x512xf32, #tpu.memory_space<vmem>>, vector<1x1x16xf32>,
        %parallel_loop3A_185 = vector.shape_cast %parallel_loop3A_184 : vector<1x1x16xf32> to vector<16xf32>
        %parallel_loop3A_186 = arith.index_cast %parallel_loop3A_70 : i32 to index
        %parallel_loop3A_187 = arith.constant 176 : index
        %parallel_loop3A_188 = tpu.vector_load %arg10[%parallel_loop3A_186, %parallel_loop3A_187] {strides = array<i32>} : memref<16x512xf32, #tpu.memory_space<vmem>>, vector<1x16xf32>,
        %parallel_loop3A_189 = vector.shape_cast %parallel_loop3A_188 : vector<1x16xf32> to vector<16xf32>
        %parallel_loop3A_190 = vector.shape_cast %parallel_loop3A_185 : vector<16xf32> to vector<1x16xf32>
        tpu.vector_store %arg10[%parallel_loop3A_186, %parallel_loop3A_187], %parallel_loop3A_190 {add = true, strides = array<i32>} : memref<16x512xf32, #tpu.memory_space<vmem>>, vector<1x16xf32>,
        %parallel_loop3A_191 = arith.index_cast %rem3A_35 : i32 to index
        %parallel_loop3A_192 = arith.index_cast %parallel_loop3A_62 : i32 to index
        %parallel_loop3A_193 = arith.constant 192 : index
        %parallel_loop3A_194 = tpu.vector_load %arg6[%parallel_loop3A_191, %parallel_loop3A_192, %parallel_loop3A_193] {strides = array<i32>} : memref<2x64x512xf32, #tpu.memory_space<vmem>>, vector<1x1x16xf32>,
        %parallel_loop3A_195 = vector.shape_cast %parallel_loop3A_194 : vector<1x1x16xf32> to vector<16xf32>
        %parallel_loop3A_196 = arith.index_cast %parallel_loop3A_70 : i32 to index
        %parallel_loop3A_197 = arith.constant 192 : index
        %parallel_loop3A_198 = tpu.vector_load %arg10[%parallel_loop3A_196, %parallel_loop3A_197] {strides = array<i32>} : memref<16x512xf32, #tpu.memory_space<vmem>>, vector<1x16xf32>,
        %parallel_loop3A_199 = vector.shape_cast %parallel_loop3A_198 : vector<1x16xf32> to vector<16xf32>
        %parallel_loop3A_200 = vector.shape_cast %parallel_loop3A_195 : vector<16xf32> to vector<1x16xf32>
        tpu.vector_store %arg10[%parallel_loop3A_196, %parallel_loop3A_197], %parallel_loop3A_200 {add = true, strides = array<i32>} : memref<16x512xf32, #tpu.memory_space<vmem>>, vector<1x16xf32>,
        %parallel_loop3A_201 = arith.index_cast %rem3A_35 : i32 to index
        %parallel_loop3A_202 = arith.index_cast %parallel_loop3A_62 : i32 to index
        %parallel_loop3A_203 = arith.constant 208 : index
        %parallel_loop3A_204 = tpu.vector_load %arg6[%parallel_loop3A_201, %parallel_loop3A_202, %parallel_loop3A_203] {strides = array<i32>} : memref<2x64x512xf32, #tpu.memory_space<vmem>>, vector<1x1x16xf32>,
        %parallel_loop3A_205 = vector.shape_cast %parallel_loop3A_204 : vector<1x1x16xf32> to vector<16xf32>
        %parallel_loop3A_206 = arith.index_cast %parallel_loop3A_70 : i32 to index
        %parallel_loop3A_207 = arith.constant 208 : index
        %parallel_loop3A_208 = tpu.vector_load %arg10[%parallel_loop3A_206, %parallel_loop3A_207] {strides = array<i32>} : memref<16x512xf32, #tpu.memory_space<vmem>>, vector<1x16xf32>,
        %parallel_loop3A_209 = vector.shape_cast %parallel_loop3A_208 : vector<1x16xf32> to vector<16xf32>
        %parallel_loop3A_210 = vector.shape_cast %parallel_loop3A_205 : vector<16xf32> to vector<1x16xf32>
        tpu.vector_store %arg10[%parallel_loop3A_206, %parallel_loop3A_207], %parallel_loop3A_210 {add = true, strides = array<i32>} : memref<16x512xf32, #tpu.memory_space<vmem>>, vector<1x16xf32>,
        %parallel_loop3A_211 = arith.index_cast %rem3A_35 : i32 to index
        %parallel_loop3A_212 = arith.index_cast %parallel_loop3A_62 : i32 to index
        %parallel_loop3A_213 = arith.constant 224 : index
        %parallel_loop3A_214 = tpu.vector_load %arg6[%parallel_loop3A_211, %parallel_loop3A_212, %parallel_loop3A_213] {strides = array<i32>} : memref<2x64x512xf32, #tpu.memory_space<vmem>>, vector<1x1x16xf32>,
        %parallel_loop3A_215 = vector.shape_cast %parallel_loop3A_214 : vector<1x1x16xf32> to vector<16xf32>
        %parallel_loop3A_216 = arith.index_cast %parallel_loop3A_70 : i32 to index
        %parallel_loop3A_217 = arith.constant 224 : index
        %parallel_loop3A_218 = tpu.vector_load %arg10[%parallel_loop3A_216, %parallel_loop3A_217] {strides = array<i32>} : memref<16x512xf32, #tpu.memory_space<vmem>>, vector<1x16xf32>,
        %parallel_loop3A_219 = vector.shape_cast %parallel_loop3A_218 : vector<1x16xf32> to vector<16xf32>
        %parallel_loop3A_220 = vector.shape_cast %parallel_loop3A_215 : vector<16xf32> to vector<1x16xf32>
        tpu.vector_store %arg10[%parallel_loop3A_216, %parallel_loop3A_217], %parallel_loop3A_220 {add = true, strides = array<i32>} : memref<16x512xf32, #tpu.memory_space<vmem>>, vector<1x16xf32>,
        %parallel_loop3A_221 = arith.index_cast %rem3A_35 : i32 to index
        %parallel_loop3A_222 = arith.index_cast %parallel_loop3A_62 : i32 to index
        %parallel_loop3A_223 = arith.constant 240 : index
        %parallel_loop3A_224 = tpu.vector_load %arg6[%parallel_loop3A_221, %parallel_loop3A_222, %parallel_loop3A_223] {strides = array<i32>} : memref<2x64x512xf32, #tpu.memory_space<vmem>>, vector<1x1x16xf32>,
        %parallel_loop3A_225 = vector.shape_cast %parallel_loop3A_224 : vector<1x1x16xf32> to vector<16xf32>
        %parallel_loop3A_226 = arith.index_cast %parallel_loop3A_70 : i32 to index
        %parallel_loop3A_227 = arith.constant 240 : index
        %parallel_loop3A_228 = tpu.vector_load %arg10[%parallel_loop3A_226, %parallel_loop3A_227] {strides = array<i32>} : memref<16x512xf32, #tpu.memory_space<vmem>>, vector<1x16xf32>,
        %parallel_loop3A_229 = vector.shape_cast %parallel_loop3A_228 : vector<1x16xf32> to vector<16xf32>
        %parallel_loop3A_230 = vector.shape_cast %parallel_loop3A_225 : vector<16xf32> to vector<1x16xf32>
        tpu.vector_store %arg10[%parallel_loop3A_226, %parallel_loop3A_227], %parallel_loop3A_230 {add = true, strides = array<i32>} : memref<16x512xf32, #tpu.memory_space<vmem>>, vector<1x16xf32>,
        %parallel_loop3A_231 = arith.index_cast %rem3A_35 : i32 to index
        %parallel_loop3A_232 = arith.index_cast %parallel_loop3A_62 : i32 to index
        %parallel_loop3A_233 = arith.constant 256 : index
        %parallel_loop3A_234 = tpu.vector_load %arg6[%parallel_loop3A_231, %parallel_loop3A_232, %parallel_loop3A_233] {strides = array<i32>} : memref<2x64x512xf32, #tpu.memory_space<vmem>>, vector<1x1x16xf32>,
        %parallel_loop3A_235 = vector.shape_cast %parallel_loop3A_234 : vector<1x1x16xf32> to vector<16xf32>
        %parallel_loop3A_236 = arith.index_cast %parallel_loop3A_70 : i32 to index
        %parallel_loop3A_237 = arith.constant 256 : index
        %parallel_loop3A_238 = tpu.vector_load %arg10[%parallel_loop3A_236, %parallel_loop3A_237] {strides = array<i32>} : memref<16x512xf32, #tpu.memory_space<vmem>>, vector<1x16xf32>,
        %parallel_loop3A_239 = vector.shape_cast %parallel_loop3A_238 : vector<1x16xf32> to vector<16xf32>
        %parallel_loop3A_240 = vector.shape_cast %parallel_loop3A_235 : vector<16xf32> to vector<1x16xf32>
        tpu.vector_store %arg10[%parallel_loop3A_236, %parallel_loop3A_237], %parallel_loop3A_240 {add = true, strides = array<i32>} : memref<16x512xf32, #tpu.memory_space<vmem>>, vector<1x16xf32>,
        %parallel_loop3A_241 = arith.index_cast %rem3A_35 : i32 to index
        %parallel_loop3A_242 = arith.index_cast %parallel_loop3A_62 : i32 to index
        %parallel_loop3A_243 = arith.constant 272 : index
        %parallel_loop3A_244 = tpu.vector_load %arg6[%parallel_loop3A_241, %parallel_loop3A_242, %parallel_loop3A_243] {strides = array<i32>} : memref<2x64x512xf32, #tpu.memory_space<vmem>>, vector<1x1x16xf32>,
        %parallel_loop3A_245 = vector.shape_cast %parallel_loop3A_244 : vector<1x1x16xf32> to vector<16xf32>
        %parallel_loop3A_246 = arith.index_cast %parallel_loop3A_70 : i32 to index
        %parallel_loop3A_247 = arith.constant 272 : index
        %parallel_loop3A_248 = tpu.vector_load %arg10[%parallel_loop3A_246, %parallel_loop3A_247] {strides = array<i32>} : memref<16x512xf32, #tpu.memory_space<vmem>>, vector<1x16xf32>,
        %parallel_loop3A_249 = vector.shape_cast %parallel_loop3A_248 : vector<1x16xf32> to vector<16xf32>
        %parallel_loop3A_250 = vector.shape_cast %parallel_loop3A_245 : vector<16xf32> to vector<1x16xf32>
        tpu.vector_store %arg10[%parallel_loop3A_246, %parallel_loop3A_247], %parallel_loop3A_250 {add = true, strides = array<i32>} : memref<16x512xf32, #tpu.memory_space<vmem>>, vector<1x16xf32>,
        %parallel_loop3A_251 = arith.index_cast %rem3A_35 : i32 to index
        %parallel_loop3A_252 = arith.index_cast %parallel_loop3A_62 : i32 to index
        %parallel_loop3A_253 = arith.constant 288 : index
        %parallel_loop3A_254 = tpu.vector_load %arg6[%parallel_loop3A_251, %parallel_loop3A_252, %parallel_loop3A_253] {strides = array<i32>} : memref<2x64x512xf32, #tpu.memory_space<vmem>>, vector<1x1x16xf32>,
        %parallel_loop3A_255 = vector.shape_cast %parallel_loop3A_254 : vector<1x1x16xf32> to vector<16xf32>
        %parallel_loop3A_256 = arith.index_cast %parallel_loop3A_70 : i32 to index
        %parallel_loop3A_257 = arith.constant 288 : index
        %parallel_loop3A_258 = tpu.vector_load %arg10[%parallel_loop3A_256, %parallel_loop3A_257] {strides = array<i32>} : memref<16x512xf32, #tpu.memory_space<vmem>>, vector<1x16xf32>,
        %parallel_loop3A_259 = vector.shape_cast %parallel_loop3A_258 : vector<1x16xf32> to vector<16xf32>
        %parallel_loop3A_260 = vector.shape_cast %parallel_loop3A_255 : vector<16xf32> to vector<1x16xf32>
        tpu.vector_store %arg10[%parallel_loop3A_256, %parallel_loop3A_257], %parallel_loop3A_260 {add = true, strides = array<i32>} : memref<16x512xf32, #tpu.memory_space<vmem>>, vector<1x16xf32>,
        %parallel_loop3A_261 = arith.index_cast %rem3A_35 : i32 to index
        %parallel_loop3A_262 = arith.index_cast %parallel_loop3A_62 : i32 to index
        %parallel_loop3A_263 = arith.constant 304 : index
        %parallel_loop3A_264 = tpu.vector_load %arg6[%parallel_loop3A_261, %parallel_loop3A_262, %parallel_loop3A_263] {strides = array<i32>} : memref<2x64x512xf32, #tpu.memory_space<vmem>>, vector<1x1x16xf32>,
        %parallel_loop3A_265 = vector.shape_cast %parallel_loop3A_264 : vector<1x1x16xf32> to vector<16xf32>
        %parallel_loop3A_266 = arith.index_cast %parallel_loop3A_70 : i32 to index
        %parallel_loop3A_267 = arith.constant 304 : index
        %parallel_loop3A_268 = tpu.vector_load %arg10[%parallel_loop3A_266, %parallel_loop3A_267] {strides = array<i32>} : memref<16x512xf32, #tpu.memory_space<vmem>>, vector<1x16xf32>,
        %parallel_loop3A_269 = vector.shape_cast %parallel_loop3A_268 : vector<1x16xf32> to vector<16xf32>
        %parallel_loop3A_270 = vector.shape_cast %parallel_loop3A_265 : vector<16xf32> to vector<1x16xf32>
        tpu.vector_store %arg10[%parallel_loop3A_266, %parallel_loop3A_267], %parallel_loop3A_270 {add = true, strides = array<i32>} : memref<16x512xf32, #tpu.memory_space<vmem>>, vector<1x16xf32>,
        %parallel_loop3A_271 = arith.index_cast %rem3A_35 : i32 to index
        %parallel_loop3A_272 = arith.index_cast %parallel_loop3A_62 : i32 to index
        %parallel_loop3A_273 = arith.constant 320 : index
        %parallel_loop3A_274 = tpu.vector_load %arg6[%parallel_loop3A_271, %parallel_loop3A_272, %parallel_loop3A_273] {strides = array<i32>} : memref<2x64x512xf32, #tpu.memory_space<vmem>>, vector<1x1x16xf32>,
        %parallel_loop3A_275 = vector.shape_cast %parallel_loop3A_274 : vector<1x1x16xf32> to vector<16xf32>
        %parallel_loop3A_276 = arith.index_cast %parallel_loop3A_70 : i32 to index
        %parallel_loop3A_277 = arith.constant 320 : index
        %parallel_loop3A_278 = tpu.vector_load %arg10[%parallel_loop3A_276, %parallel_loop3A_277] {strides = array<i32>} : memref<16x512xf32, #tpu.memory_space<vmem>>, vector<1x16xf32>,
        %parallel_loop3A_279 = vector.shape_cast %parallel_loop3A_278 : vector<1x16xf32> to vector<16xf32>
        %parallel_loop3A_280 = vector.shape_cast %parallel_loop3A_275 : vector<16xf32> to vector<1x16xf32>
        tpu.vector_store %arg10[%parallel_loop3A_276, %parallel_loop3A_277], %parallel_loop3A_280 {add = true, strides = array<i32>} : memref<16x512xf32, #tpu.memory_space<vmem>>, vector<1x16xf32>,
        %parallel_loop3A_281 = arith.index_cast %rem3A_35 : i32 to index
        %parallel_loop3A_282 = arith.index_cast %parallel_loop3A_62 : i32 to index
        %parallel_loop3A_283 = arith.constant 336 : index
        %parallel_loop3A_284 = tpu.vector_load %arg6[%parallel_loop3A_281, %parallel_loop3A_282, %parallel_loop3A_283] {strides = array<i32>} : memref<2x64x512xf32, #tpu.memory_space<vmem>>, vector<1x1x16xf32>,
        %parallel_loop3A_285 = vector.shape_cast %parallel_loop3A_284 : vector<1x1x16xf32> to vector<16xf32>
        %parallel_loop3A_286 = arith.index_cast %parallel_loop3A_70 : i32 to index
        %parallel_loop3A_287 = arith.constant 336 : index
        %parallel_loop3A_288 = tpu.vector_load %arg10[%parallel_loop3A_286, %parallel_loop3A_287] {strides = array<i32>} : memref<16x512xf32, #tpu.memory_space<vmem>>, vector<1x16xf32>,
        %parallel_loop3A_289 = vector.shape_cast %parallel_loop3A_288 : vector<1x16xf32> to vector<16xf32>
        %parallel_loop3A_290 = vector.shape_cast %parallel_loop3A_285 : vector<16xf32> to vector<1x16xf32>
        tpu.vector_store %arg10[%parallel_loop3A_286, %parallel_loop3A_287], %parallel_loop3A_290 {add = true, strides = array<i32>} : memref<16x512xf32, #tpu.memory_space<vmem>>, vector<1x16xf32>,
        %parallel_loop3A_291 = arith.index_cast %rem3A_35 : i32 to index
        %parallel_loop3A_292 = arith.index_cast %parallel_loop3A_62 : i32 to index
        %parallel_loop3A_293 = arith.constant 352 : index
        %parallel_loop3A_294 = tpu.vector_load %arg6[%parallel_loop3A_291, %parallel_loop3A_292, %parallel_loop3A_293] {strides = array<i32>} : memref<2x64x512xf32, #tpu.memory_space<vmem>>, vector<1x1x16xf32>,
        %parallel_loop3A_295 = vector.shape_cast %parallel_loop3A_294 : vector<1x1x16xf32> to vector<16xf32>
        %parallel_loop3A_296 = arith.index_cast %parallel_loop3A_70 : i32 to index
        %parallel_loop3A_297 = arith.constant 352 : index
        %parallel_loop3A_298 = tpu.vector_load %arg10[%parallel_loop3A_296, %parallel_loop3A_297] {strides = array<i32>} : memref<16x512xf32, #tpu.memory_space<vmem>>, vector<1x16xf32>,
        %parallel_loop3A_299 = vector.shape_cast %parallel_loop3A_298 : vector<1x16xf32> to vector<16xf32>
        %parallel_loop3A_300 = vector.shape_cast %parallel_loop3A_295 : vector<16xf32> to vector<1x16xf32>
        tpu.vector_store %arg10[%parallel_loop3A_296, %parallel_loop3A_297], %parallel_loop3A_300 {add = true, strides = array<i32>} : memref<16x512xf32, #tpu.memory_space<vmem>>, vector<1x16xf32>,
        %parallel_loop3A_301 = arith.index_cast %rem3A_35 : i32 to index
        %parallel_loop3A_302 = arith.index_cast %parallel_loop3A_62 : i32 to index
        %parallel_loop3A_303 = arith.constant 368 : index
        %parallel_loop3A_304 = tpu.vector_load %arg6[%parallel_loop3A_301, %parallel_loop3A_302, %parallel_loop3A_303] {strides = array<i32>} : memref<2x64x512xf32, #tpu.memory_space<vmem>>, vector<1x1x16xf32>,
        %parallel_loop3A_305 = vector.shape_cast %parallel_loop3A_304 : vector<1x1x16xf32> to vector<16xf32>
        %parallel_loop3A_306 = arith.index_cast %parallel_loop3A_70 : i32 to index
        %parallel_loop3A_307 = arith.constant 368 : index
        %parallel_loop3A_308 = tpu.vector_load %arg10[%parallel_loop3A_306, %parallel_loop3A_307] {strides = array<i32>} : memref<16x512xf32, #tpu.memory_space<vmem>>, vector<1x16xf32>,
        %parallel_loop3A_309 = vector.shape_cast %parallel_loop3A_308 : vector<1x16xf32> to vector<16xf32>
        %parallel_loop3A_310 = vector.shape_cast %parallel_loop3A_305 : vector<16xf32> to vector<1x16xf32>
        tpu.vector_store %arg10[%parallel_loop3A_306, %parallel_loop3A_307], %parallel_loop3A_310 {add = true, strides = array<i32>} : memref<16x512xf32, #tpu.memory_space<vmem>>, vector<1x16xf32>,
        %parallel_loop3A_311 = arith.index_cast %rem3A_35 : i32 to index
        %parallel_loop3A_312 = arith.index_cast %parallel_loop3A_62 : i32 to index
        %parallel_loop3A_313 = arith.constant 384 : index
        %parallel_loop3A_314 = tpu.vector_load %arg6[%parallel_loop3A_311, %parallel_loop3A_312, %parallel_loop3A_313] {strides = array<i32>} : memref<2x64x512xf32, #tpu.memory_space<vmem>>, vector<1x1x16xf32>,
        %parallel_loop3A_315 = vector.shape_cast %parallel_loop3A_314 : vector<1x1x16xf32> to vector<16xf32>
        %parallel_loop3A_316 = arith.index_cast %parallel_loop3A_70 : i32 to index
        %parallel_loop3A_317 = arith.constant 384 : index
        %parallel_loop3A_318 = tpu.vector_load %arg10[%parallel_loop3A_316, %parallel_loop3A_317] {strides = array<i32>} : memref<16x512xf32, #tpu.memory_space<vmem>>, vector<1x16xf32>,
        %parallel_loop3A_319 = vector.shape_cast %parallel_loop3A_318 : vector<1x16xf32> to vector<16xf32>
        %parallel_loop3A_320 = vector.shape_cast %parallel_loop3A_315 : vector<16xf32> to vector<1x16xf32>
        tpu.vector_store %arg10[%parallel_loop3A_316, %parallel_loop3A_317], %parallel_loop3A_320 {add = true, strides = array<i32>} : memref<16x512xf32, #tpu.memory_space<vmem>>, vector<1x16xf32>,
        %parallel_loop3A_321 = arith.index_cast %rem3A_35 : i32 to index
        %parallel_loop3A_322 = arith.index_cast %parallel_loop3A_62 : i32 to index
        %parallel_loop3A_323 = arith.constant 400 : index
        %parallel_loop3A_324 = tpu.vector_load %arg6[%parallel_loop3A_321, %parallel_loop3A_322, %parallel_loop3A_323] {strides = array<i32>} : memref<2x64x512xf32, #tpu.memory_space<vmem>>, vector<1x1x16xf32>,
        %parallel_loop3A_325 = vector.shape_cast %parallel_loop3A_324 : vector<1x1x16xf32> to vector<16xf32>
        %parallel_loop3A_326 = arith.index_cast %parallel_loop3A_70 : i32 to index
        %parallel_loop3A_327 = arith.constant 400 : index
        %parallel_loop3A_328 = tpu.vector_load %arg10[%parallel_loop3A_326, %parallel_loop3A_327] {strides = array<i32>} : memref<16x512xf32, #tpu.memory_space<vmem>>, vector<1x16xf32>,
        %parallel_loop3A_329 = vector.shape_cast %parallel_loop3A_328 : vector<1x16xf32> to vector<16xf32>
        %parallel_loop3A_330 = vector.shape_cast %parallel_loop3A_325 : vector<16xf32> to vector<1x16xf32>
        tpu.vector_store %arg10[%parallel_loop3A_326, %parallel_loop3A_327], %parallel_loop3A_330 {add = true, strides = array<i32>} : memref<16x512xf32, #tpu.memory_space<vmem>>, vector<1x16xf32>,
        %parallel_loop3A_331 = arith.index_cast %rem3A_35 : i32 to index
        %parallel_loop3A_332 = arith.index_cast %parallel_loop3A_62 : i32 to index
        %parallel_loop3A_333 = arith.constant 416 : index
        %parallel_loop3A_334 = tpu.vector_load %arg6[%parallel_loop3A_331, %parallel_loop3A_332, %parallel_loop3A_333] {strides = array<i32>} : memref<2x64x512xf32, #tpu.memory_space<vmem>>, vector<1x1x16xf32>,
        %parallel_loop3A_335 = vector.shape_cast %parallel_loop3A_334 : vector<1x1x16xf32> to vector<16xf32>
        %parallel_loop3A_336 = arith.index_cast %parallel_loop3A_70 : i32 to index
        %parallel_loop3A_337 = arith.constant 416 : index
        %parallel_loop3A_338 = tpu.vector_load %arg10[%parallel_loop3A_336, %parallel_loop3A_337] {strides = array<i32>} : memref<16x512xf32, #tpu.memory_space<vmem>>, vector<1x16xf32>,
        %parallel_loop3A_339 = vector.shape_cast %parallel_loop3A_338 : vector<1x16xf32> to vector<16xf32>
        %parallel_loop3A_340 = vector.shape_cast %parallel_loop3A_335 : vector<16xf32> to vector<1x16xf32>
        tpu.vector_store %arg10[%parallel_loop3A_336, %parallel_loop3A_337], %parallel_loop3A_340 {add = true, strides = array<i32>} : memref<16x512xf32, #tpu.memory_space<vmem>>, vector<1x16xf32>,
        %parallel_loop3A_341 = arith.index_cast %rem3A_35 : i32 to index
        %parallel_loop3A_342 = arith.index_cast %parallel_loop3A_62 : i32 to index
        %parallel_loop3A_343 = arith.constant 432 : index
        %parallel_loop3A_344 = tpu.vector_load %arg6[%parallel_loop3A_341, %parallel_loop3A_342, %parallel_loop3A_343] {strides = array<i32>} : memref<2x64x512xf32, #tpu.memory_space<vmem>>, vector<1x1x16xf32>,
        %parallel_loop3A_345 = vector.shape_cast %parallel_loop3A_344 : vector<1x1x16xf32> to vector<16xf32>
        %parallel_loop3A_346 = arith.index_cast %parallel_loop3A_70 : i32 to index
        %parallel_loop3A_347 = arith.constant 432 : index
        %parallel_loop3A_348 = tpu.vector_load %arg10[%parallel_loop3A_346, %parallel_loop3A_347] {strides = array<i32>} : memref<16x512xf32, #tpu.memory_space<vmem>>, vector<1x16xf32>,
        %parallel_loop3A_349 = vector.shape_cast %parallel_loop3A_348 : vector<1x16xf32> to vector<16xf32>
        %parallel_loop3A_350 = vector.shape_cast %parallel_loop3A_345 : vector<16xf32> to vector<1x16xf32>
        tpu.vector_store %arg10[%parallel_loop3A_346, %parallel_loop3A_347], %parallel_loop3A_350 {add = true, strides = array<i32>} : memref<16x512xf32, #tpu.memory_space<vmem>>, vector<1x16xf32>,
        %parallel_loop3A_351 = arith.index_cast %rem3A_35 : i32 to index
        %parallel_loop3A_352 = arith.index_cast %parallel_loop3A_62 : i32 to index
        %parallel_loop3A_353 = arith.constant 448 : index
        %parallel_loop3A_354 = tpu.vector_load %arg6[%parallel_loop3A_351, %parallel_loop3A_352, %parallel_loop3A_353] {strides = array<i32>} : memref<2x64x512xf32, #tpu.memory_space<vmem>>, vector<1x1x16xf32>,
        %parallel_loop3A_355 = vector.shape_cast %parallel_loop3A_354 : vector<1x1x16xf32> to vector<16xf32>
        %parallel_loop3A_356 = arith.index_cast %parallel_loop3A_70 : i32 to index
        %parallel_loop3A_357 = arith.constant 448 : index
        %parallel_loop3A_358 = tpu.vector_load %arg10[%parallel_loop3A_356, %parallel_loop3A_357] {strides = array<i32>} : memref<16x512xf32, #tpu.memory_space<vmem>>, vector<1x16xf32>,
        %parallel_loop3A_359 = vector.shape_cast %parallel_loop3A_358 : vector<1x16xf32> to vector<16xf32>
        %parallel_loop3A_360 = vector.shape_cast %parallel_loop3A_355 : vector<16xf32> to vector<1x16xf32>
        tpu.vector_store %arg10[%parallel_loop3A_356, %parallel_loop3A_357], %parallel_loop3A_360 {add = true, strides = array<i32>} : memref<16x512xf32, #tpu.memory_space<vmem>>, vector<1x16xf32>,
        %parallel_loop3A_361 = arith.index_cast %rem3A_35 : i32 to index
        %parallel_loop3A_362 = arith.index_cast %parallel_loop3A_62 : i32 to index
        %parallel_loop3A_363 = arith.constant 464 : index
        %parallel_loop3A_364 = tpu.vector_load %arg6[%parallel_loop3A_361, %parallel_loop3A_362, %parallel_loop3A_363] {strides = array<i32>} : memref<2x64x512xf32, #tpu.memory_space<vmem>>, vector<1x1x16xf32>,
        %parallel_loop3A_365 = vector.shape_cast %parallel_loop3A_364 : vector<1x1x16xf32> to vector<16xf32>
        %parallel_loop3A_366 = arith.index_cast %parallel_loop3A_70 : i32 to index
        %parallel_loop3A_367 = arith.constant 464 : index
        %parallel_loop3A_368 = tpu.vector_load %arg10[%parallel_loop3A_366, %parallel_loop3A_367] {strides = array<i32>} : memref<16x512xf32, #tpu.memory_space<vmem>>, vector<1x16xf32>,
        %parallel_loop3A_369 = vector.shape_cast %parallel_loop3A_368 : vector<1x16xf32> to vector<16xf32>
        %parallel_loop3A_370 = vector.shape_cast %parallel_loop3A_365 : vector<16xf32> to vector<1x16xf32>
        tpu.vector_store %arg10[%parallel_loop3A_366, %parallel_loop3A_367], %parallel_loop3A_370 {add = true, strides = array<i32>} : memref<16x512xf32, #tpu.memory_space<vmem>>, vector<1x16xf32>,
        %parallel_loop3A_371 = arith.index_cast %rem3A_35 : i32 to index
        %parallel_loop3A_372 = arith.index_cast %parallel_loop3A_62 : i32 to index
        %parallel_loop3A_373 = arith.constant 480 : index
        %parallel_loop3A_374 = tpu.vector_load %arg6[%parallel_loop3A_371, %parallel_loop3A_372, %parallel_loop3A_373] {strides = array<i32>} : memref<2x64x512xf32, #tpu.memory_space<vmem>>, vector<1x1x16xf32>,
        %parallel_loop3A_375 = vector.shape_cast %parallel_loop3A_374 : vector<1x1x16xf32> to vector<16xf32>
        %parallel_loop3A_376 = arith.index_cast %parallel_loop3A_70 : i32 to index
        %parallel_loop3A_377 = arith.constant 480 : index
        %parallel_loop3A_378 = tpu.vector_load %arg10[%parallel_loop3A_376, %parallel_loop3A_377] {strides = array<i32>} : memref<16x512xf32, #tpu.memory_space<vmem>>, vector<1x16xf32>,
        %parallel_loop3A_379 = vector.shape_cast %parallel_loop3A_378 : vector<1x16xf32> to vector<16xf32>
        %parallel_loop3A_380 = vector.shape_cast %parallel_loop3A_375 : vector<16xf32> to vector<1x16xf32>
        tpu.vector_store %arg10[%parallel_loop3A_376, %parallel_loop3A_377], %parallel_loop3A_380 {add = true, strides = array<i32>} : memref<16x512xf32, #tpu.memory_space<vmem>>, vector<1x16xf32>,
        %parallel_loop3A_381 = arith.index_cast %rem3A_35 : i32 to index
        %parallel_loop3A_382 = arith.index_cast %parallel_loop3A_62 : i32 to index
        %parallel_loop3A_383 = arith.constant 496 : index
        %parallel_loop3A_384 = tpu.vector_load %arg6[%parallel_loop3A_381, %parallel_loop3A_382, %parallel_loop3A_383] {strides = array<i32>} : memref<2x64x512xf32, #tpu.memory_space<vmem>>, vector<1x1x16xf32>,
        %parallel_loop3A_385 = vector.shape_cast %parallel_loop3A_384 : vector<1x1x16xf32> to vector<16xf32>
        %parallel_loop3A_386 = arith.index_cast %parallel_loop3A_70 : i32 to index
        %parallel_loop3A_387 = arith.constant 496 : index
        %parallel_loop3A_388 = tpu.vector_load %arg10[%parallel_loop3A_386, %parallel_loop3A_387] {strides = array<i32>} : memref<16x512xf32, #tpu.memory_space<vmem>>, vector<1x16xf32>,
        %parallel_loop3A_389 = vector.shape_cast %parallel_loop3A_388 : vector<1x16xf32> to vector<16xf32>
        %parallel_loop3A_390 = vector.shape_cast %parallel_loop3A_385 : vector<16xf32> to vector<1x16xf32>
        tpu.vector_store %arg10[%parallel_loop3A_386, %parallel_loop3A_387], %parallel_loop3A_390 {add = true, strides = array<i32>} : memref<16x512xf32, #tpu.memory_space<vmem>>, vector<1x16xf32>,
      } {sc.loop_unroll_factor = 4 : i64, sc.parallel_access}
      %scan3A_61 = arith.constant 0 : i32
      scf.yield %scan3A_61 : i32
    }
    %scan3A_31 = arith.constant 2 : i32
    "tpu.region"() ({
      %run_scoped3A = tpu.sem_alloc : memref<!tpu.dma_semaphore, #tpu.memory_space<semaphore_mem>>
      %dma_start3A_32 = arith.constant 0 : i32
      %dma_start3A_33 = arith.constant 0 : i32
      %dma_start3A_34 = tpu.memref_slice %arg5[%add3A, %dma_start3A_32, %dma_start3A_33] : memref<32x16x512xf32, #tpu.memory_space<hbm>> -> memref<1x16x512xf32, #tpu.memory_space<hbm>>
      %dma_start3A_35 = tpu.memref_squeeze %dma_start3A_34 : memref<1x16x512xf32, #tpu.memory_space<hbm>> -> memref<16x512xf32, #tpu.memory_space<hbm>>
      %dma_start3A_36 = arith.constant 0 : i32
      %dma_start3A_37 = arith.constant 0 : i32
      %dma_start3A_38 = tpu.memref_slice %arg5[%add3A, %dma_start3A_36, %dma_start3A_37] : memref<32x16x512xf32, #tpu.memory_space<hbm>> -> memref<1x16x512xf32, #tpu.memory_space<hbm>>
      %dma_start3A_39 = tpu.memref_squeeze %dma_start3A_38 : memref<1x16x512xf32, #tpu.memory_space<hbm>> -> memref<16x512xf32, #tpu.memory_space<hbm>>
      tpu.enqueue_dma source(%arg10 : memref<16x512xf32, #tpu.memory_space<vmem>>) target(%dma_start3A_39 : memref<16x512xf32, #tpu.memory_space<hbm>>) target_semaphore(%run_scoped3A : memref<!tpu.dma_semaphore, #tpu.memory_space<semaphore_mem>>)
      %dma_wait3A = arith.constant 0 : i32
      %dma_wait3A_40 = arith.constant 0 : i32
      %dma_wait3A_41 = tpu.memref_slice %arg5[%add3A, %dma_wait3A, %dma_wait3A_40] : memref<32x16x512xf32, #tpu.memory_space<hbm>> -> memref<1x16x512xf32, #tpu.memory_space<hbm>>
      %dma_wait3A_42 = tpu.memref_squeeze %dma_wait3A_41 : memref<1x16x512xf32, #tpu.memory_space<hbm>> -> memref<16x512xf32, #tpu.memory_space<hbm>>
      %dma_wait3A_43 = arith.constant 0 : i32
      %dma_wait3A_44 = arith.constant 0 : i32
      %dma_wait3A_45 = tpu.memref_slice %arg5[%add3A, %dma_wait3A_43, %dma_wait3A_44] : memref<32x16x512xf32, #tpu.memory_space<hbm>> -> memref<1x16x512xf32, #tpu.memory_space<hbm>>
      %dma_wait3A_46 = tpu.memref_squeeze %dma_wait3A_45 : memref<1x16x512xf32, #tpu.memory_space<hbm>> -> memref<16x512xf32, #tpu.memory_space<hbm>>
      tpu.wait_dma2 semaphore(%run_scoped3A : memref<!tpu.dma_semaphore, #tpu.memory_space<semaphore_mem>>) src(%arg10 : memref<16x512xf32, #tpu.memory_space<vmem>>) dst(%dma_wait3A_46 : memref<16x512xf32, #tpu.memory_space<hbm>>)
      tpu.yield
    }) : () -> ()
    return
  }
}

module attributes {stable_mosaic.version = 14 : i64} {
  func.func @_fin_body(%arg0: memref<1x1x16384xi32, #tpu.memory_space<vmem>>, %arg1: memref<1x1x16384xi32, #tpu.memory_space<vmem>>, %arg2: memref<32x16x512xf32, #tpu.memory_space<vmem>>, %arg3: memref<16x512xf32, #tpu.memory_space<vmem>>, %arg4: memref<16x512xf32, #tpu.memory_space<vmem>>, %arg5: memref<16x512xf32, #tpu.memory_space<vmem>>) attributes {dimension_semantics = [], scalar_prefetch = 0 : i64, scratch_operands = 0 : i64, tpu.core_type = #tpu.core_type<tc>} {
    %get3A = arith.constant 0 : index
    %get3A_0 = arith.constant 0 : index
    %get3A_1 = arith.constant 0 : index
    %get3A_2 = vector.load %arg0[%get3A, %get3A_0, %get3A_1] : memref<1x1x16384xi32, #tpu.memory_space<vmem>>, vector<1x1x16384xi32>
    %get3A_3 = vector.shape_cast %get3A_2 : vector<1x1x16384xi32> to vector<1x16384xi32>
    %mul3A = arith.constant 4 : i32
    %mul3A_4 = vector.broadcast %mul3A : i32 to vector<1x16384xi32>
    %mul3A_5 = arith.muli %get3A_3, %mul3A_4 : vector<1x16384xi32>
    %get3A_6 = arith.constant 0 : index
    %get3A_7 = arith.constant 0 : index
    %get3A_8 = arith.constant 0 : index
    %get3A_9 = vector.load %arg1[%get3A_6, %get3A_7, %get3A_8] : memref<1x1x16384xi32, #tpu.memory_space<vmem>>, vector<1x1x16384xi32>
    %get3A_10 = vector.shape_cast %get3A_9 : vector<1x1x16384xi32> to vector<1x16384xi32>
    %add3A = arith.addi %mul3A_5, %get3A_10 : vector<1x16384xi32>
    %iota3A = tpu.iota {dimensions = array<i32: 0>} : vector<16x16384xi32>
    %eq3A = vector.broadcast %add3A : vector<1x16384xi32> to vector<16x16384xi32>
    %eq3A_11 = arith.cmpi eq, %iota3A, %eq3A : vector<16x16384xi32>
    %convert_element_type3A = arith.extui %eq3A_11 : vector<16x16384xi1> to vector<16x16384xi32>
    %convert_element_type3A_12 = arith.sitofp %convert_element_type3A : vector<16x16384xi32> to vector<16x16384xf32>
    %reduce_sum3A = arith.constant dense<0.000000e+00> : vector<16xf32>
    %reduce_sum3A_13 = vector.multi_reduction <add>, %convert_element_type3A_12, %reduce_sum3A [1] : vector<16x16384xf32> to vector<16xf32>
    %broadcast_in_dim3A = vector.shape_cast %reduce_sum3A_13 : vector<16xf32> to vector<16x1xf32>
    %get3A_14 = arith.constant 0 : index
    %get3A_15 = arith.constant 0 : index
    %get3A_16 = arith.constant 0 : index
    %get3A_17 = vector.load %arg2[%get3A_14, %get3A_15, %get3A_16] : memref<32x16x512xf32, #tpu.memory_space<vmem>>, vector<32x16x512xf32>
    %reduce_sum3A_18 = arith.constant dense<0.000000e+00> : vector<16x512xf32>
    %reduce_sum3A_19 = vector.multi_reduction <add>, %get3A_17, %reduce_sum3A_18 [0] : vector<32x16x512xf32> to vector<16x512xf32>
    %get3A_20 = arith.constant 0 : index
    %get3A_21 = arith.constant 0 : index
    %get3A_22 = vector.load %arg3[%get3A_20, %get3A_21] : memref<16x512xf32, #tpu.memory_space<vmem>>, vector<16x512xf32>
    %add3A_23 = arith.addf %reduce_sum3A_19, %get3A_22 : vector<16x512xf32>
    %max3A = arith.constant 1.000000e+00 : f32
    %max3A_24 = vector.broadcast %max3A : f32 to vector<16x1xf32>
    %max3A_25 = arith.maximumf %broadcast_in_dim3A, %max3A_24 : vector<16x1xf32>
    %div3A = vector.broadcast %max3A_25 : vector<16x1xf32> to vector<16x512xf32>
    %div3A_26 = arith.divf %add3A_23, %div3A : vector<16x512xf32>
    %get3A_27 = arith.constant 0 : index
    %get3A_28 = arith.constant 0 : index
    %get3A_29 = vector.load %arg4[%get3A_27, %get3A_28] : memref<16x512xf32, #tpu.memory_space<vmem>>, vector<16x512xf32>
    %mul3A_30 = arith.constant 0.899999976 : f32
    %mul3A_31 = vector.broadcast %mul3A_30 : f32 to vector<16x512xf32>
    %mul3A_32 = arith.mulf %mul3A_31, %get3A_29 : vector<16x512xf32>
    %mul3A_33 = arith.constant 1.000000e-01 : f32
    %mul3A_34 = vector.broadcast %mul3A_33 : f32 to vector<16x512xf32>
    %mul3A_35 = arith.mulf %mul3A_34, %div3A_26 : vector<16x512xf32>
    %add3A_36 = arith.addf %mul3A_32, %mul3A_35 : vector<16x512xf32>
    %gt3A = arith.constant 0.000000e+00 : f32
    %gt3A_37 = vector.broadcast %gt3A : f32 to vector<16x1xf32>
    %gt3A_38 = arith.cmpf ogt, %broadcast_in_dim3A, %gt3A_37 : vector<16x1xf32>
    %get3A_39 = arith.constant 0 : index
    %get3A_40 = arith.constant 0 : index
    %get3A_41 = vector.load %arg4[%get3A_39, %get3A_40] : memref<16x512xf32, #tpu.memory_space<vmem>>, vector<16x512xf32>
    %broadcast_in_dim3A_42 = vector.shape_cast %gt3A_38 : vector<16x1xi1> to vector<16x1xi1>
    %broadcast_in_dim3A_43 = vector.broadcast %broadcast_in_dim3A_42 : vector<16x1xi1> to vector<16x512xi1>
    %select_n3A = arith.select %broadcast_in_dim3A_43, %add3A_36, %get3A_41 : vector<16x512xi1>, vector<16x512xf32>
    %swap3A = arith.constant 0 : index
    %swap3A_44 = arith.constant 0 : index
    %swap3A_45 = vector.load %arg5[%swap3A, %swap3A_44] : memref<16x512xf32, #tpu.memory_space<vmem>>, vector<16x512xf32>
    tpu.vector_store %arg5[%swap3A, %swap3A_44], %select_n3A {strides = array<i32>} : memref<16x512xf32, #tpu.memory_space<vmem>>, vector<16x512xf32>,
    return
  }
}

module attributes {stable_mosaic.version = 14 : i64} {
  func.func @_tc_body(%arg0: i32, %arg1: memref<1x1x2048xi32, #tpu.memory_space<vmem>>, %arg2: memref<1x1x2048xi32, #tpu.memory_space<vmem>>, %arg3: memref<1x1x2048xi32, #tpu.memory_space<vmem>>, %arg4: memref<1x1x1536xi32, #tpu.memory_space<vmem>>, %arg5: memref<1x1x1536xi32, #tpu.memory_space<vmem>>, %arg6: memref<2048x512xf32, #tpu.memory_space<vmem>>, %arg7: memref<1536x512xf32, #tpu.memory_space<vmem>>, %arg8: memref<16x512xf32, #tpu.memory_space<vmem>>, %arg9: memref<16x512xf32, #tpu.memory_space<vmem>>, %arg10: memref<1x1xf32, #tpu.memory_space<vmem>>, %arg11: memref<16x512xf32, #tpu.memory_space<vmem>>, %arg12: memref<16x512xf32, #tpu.memory_space<vmem>>, %arg13: memref<16x512xf32, #tpu.memory_space<vmem>>, %arg14: memref<16x1xf32, #tpu.memory_space<vmem>>, %arg15: memref<1x1xf32, #tpu.memory_space<vmem>>, %arg16: memref<16x512xf32, #tpu.memory_space<vmem>>) attributes {dimension_semantics = [#tpu.dimension_semantics<arbitrary>], iteration_bounds = array<i64: 8>, scalar_prefetch = 0 : i64, scratch_operands = 4 : i64, tpu.core_type = #tpu.core_type<tc>, window_params = [{transform_indices = @transform_0, window_bounds = array<i64: 1, 1, 2048>}, {transform_indices = @transform_1, window_bounds = array<i64: 1, 1, 2048>}, {transform_indices = @transform_2, window_bounds = array<i64: 1, 1, 2048>}, {transform_indices = @transform_3, window_bounds = array<i64: 1, 1, 1536>}, {transform_indices = @transform_4, window_bounds = array<i64: 1, 1, 1536>}, {transform_indices = @transform_5, window_bounds = array<i64: 2048, 512>}, {transform_indices = @transform_6, window_bounds = array<i64: 1536, 512>}, {pipeline_mode = #tpu.pipeline_mode<synchronous>, transform_indices = @transform_7, window_bounds = array<i64: 16, 512>}, {pipeline_mode = #tpu.pipeline_mode<synchronous>, transform_indices = @transform_8, window_bounds = array<i64: 16, 512>}, {pipeline_mode = #tpu.pipeline_mode<synchronous>, transform_indices = @transform_9, window_bounds = array<i64: 1, 1>}, {pipeline_mode = #tpu.pipeline_mode<synchronous>, transform_indices = @transform_10, window_bounds = array<i64: 16, 512>}, {pipeline_mode = #tpu.pipeline_mode<synchronous>, transform_indices = @transform_11, window_bounds = array<i64: 16, 512>}]} {
    %eq3A = arith.constant 0 : i32
    %eq3A_0 = arith.cmpi eq, %arg0, %eq3A : i32
    %convert_element_type3A = arith.extui %eq3A_0 : i1 to i32
    %cond3A = arith.constant 0 : i32
    %cond3A_1 = arith.cmpi ne, %convert_element_type3A, %cond3A : i32
    scf.if %cond3A_1 {
      %broadcast_in_dim3A_141 = arith.constant 0.000000e+00 : f32
      %broadcast_in_dim3A_142 = vector.broadcast %broadcast_in_dim3A_141 : f32 to vector<16x512xf32>
      %swap3A_143 = arith.constant 0 : index
      %swap3A_144 = arith.constant 0 : index
      %swap3A_145 = vector.load %arg13[%swap3A_143, %swap3A_144] : memref<16x512xf32, #tpu.memory_space<vmem>>, vector<16x512xf32>
      tpu.vector_store %arg13[%swap3A_143, %swap3A_144], %broadcast_in_dim3A_142 {strides = array<i32>} : memref<16x512xf32, #tpu.memory_space<vmem>>, vector<16x512xf32>,
      %broadcast_in_dim3A_146 = arith.constant 0.000000e+00 : f32
      %broadcast_in_dim3A_147 = vector.broadcast %broadcast_in_dim3A_146 : f32 to vector<16x1xf32>
      %swap3A_148 = arith.constant 0 : index
      %swap3A_149 = arith.constant 0 : index
      %swap3A_150 = vector.load %arg14[%swap3A_148, %swap3A_149] : memref<16x1xf32, #tpu.memory_space<vmem>>, vector<16x1xf32>
      tpu.vector_store %arg14[%swap3A_148, %swap3A_149], %broadcast_in_dim3A_147 {strides = array<i32>} : memref<16x1xf32, #tpu.memory_space<vmem>>, vector<16x1xf32>,
      %broadcast_in_dim3A_151 = arith.constant 0.000000e+00 : f32
      %broadcast_in_dim3A_152 = vector.broadcast %broadcast_in_dim3A_151 : f32 to vector<1x1xf32>
      %swap3A_153 = arith.constant 0 : index
      %swap3A_154 = arith.constant 0 : index
      %swap3A_155 = vector.load %arg15[%swap3A_153, %swap3A_154] : memref<1x1xf32, #tpu.memory_space<vmem>>, vector<1x1xf32>
      tpu.vector_store %arg15[%swap3A_153, %swap3A_154], %broadcast_in_dim3A_152 {strides = array<i32>} : memref<1x1xf32, #tpu.memory_space<vmem>>, vector<1x1xf32>,
      %broadcast_in_dim3A_156 = arith.constant 0.000000e+00 : f32
      %broadcast_in_dim3A_157 = vector.broadcast %broadcast_in_dim3A_156 : f32 to vector<16x512xf32>
      %swap3A_158 = arith.constant 0 : index
      %swap3A_159 = arith.constant 0 : index
      %swap3A_160 = vector.load %arg16[%swap3A_158, %swap3A_159] : memref<16x512xf32, #tpu.memory_space<vmem>>, vector<16x512xf32>
      tpu.vector_store %arg16[%swap3A_158, %swap3A_159], %broadcast_in_dim3A_157 {strides = array<i32>} : memref<16x512xf32, #tpu.memory_space<vmem>>, vector<16x512xf32>,
    } else {
    }
    %get3A = arith.constant 0 : index
    %get3A_2 = arith.constant 0 : index
    %get3A_3 = vector.load %arg7[%get3A, %get3A_2] : memref<1536x512xf32, #tpu.memory_space<vmem>>, vector<1536x512xf32>
    %get3A_4 = arith.constant 0 : index
    %get3A_5 = arith.constant 0 : index
    %get3A_6 = arith.constant 0 : index
    %get3A_7 = vector.load %arg4[%get3A_4, %get3A_5, %get3A_6] : memref<1x1x1536xi32, #tpu.memory_space<vmem>>, vector<1x1x1536xi32>
    %get3A_8 = vector.shape_cast %get3A_7 : vector<1x1x1536xi32> to vector<1x1536xi32>
    %mul3A = arith.constant 4 : i32
    %mul3A_9 = vector.broadcast %mul3A : i32 to vector<1x1536xi32>
    %mul3A_10 = arith.muli %get3A_8, %mul3A_9 : vector<1x1536xi32>
    %get3A_11 = arith.constant 0 : index
    %get3A_12 = arith.constant 0 : index
    %get3A_13 = arith.constant 0 : index
    %get3A_14 = vector.load %arg5[%get3A_11, %get3A_12, %get3A_13] : memref<1x1x1536xi32, #tpu.memory_space<vmem>>, vector<1x1x1536xi32>
    %get3A_15 = vector.shape_cast %get3A_14 : vector<1x1x1536xi32> to vector<1x1536xi32>
    %add3A = arith.addi %mul3A_10, %get3A_15 : vector<1x1536xi32>
    %iota3A = tpu.iota {dimensions = array<i32: 0>} : vector<16x1536xi32>
    %eq3A_16 = vector.broadcast %add3A : vector<1x1536xi32> to vector<16x1536xi32>
    %eq3A_17 = arith.cmpi eq, %iota3A, %eq3A_16 : vector<16x1536xi32>
    %convert_element_type3A_18 = arith.extui %eq3A_17 : vector<16x1536xi1> to vector<16x1536xi32>
    %convert_element_type3A_19 = arith.sitofp %convert_element_type3A_18 : vector<16x1536xi32> to vector<16x1536xf32>
    %get3A_20 = arith.constant 0 : index
    %get3A_21 = arith.constant 0 : index
    %get3A_22 = vector.load %arg16[%get3A_20, %get3A_21] : memref<16x512xf32, #tpu.memory_space<vmem>>, vector<16x512xf32>
    %dot_general3A = arith.constant dense<0.000000e+00> : vector<16x512xf32>
    %dot_general3A_23 = tpu.matmul %convert_element_type3A_19, %get3A_3, %dot_general3A {dimension_numbers = #tpu.dot_dimension_numbers<[1], [0], [0], [1], [0, 0, 1, 1], [], []>, transpose_lhs_hint = false} : vector<16x1536xf32>, vector<1536x512xf32>, vector<16x512xf32> -> vector<16x512xf32>
    %add3A_24 = arith.addf %get3A_22, %dot_general3A_23 : vector<16x512xf32>
    %swap3A = arith.constant 0 : index
    %swap3A_25 = arith.constant 0 : index
    %swap3A_26 = vector.load %arg16[%swap3A, %swap3A_25] : memref<16x512xf32, #tpu.memory_space<vmem>>, vector<16x512xf32>
    tpu.vector_store %arg16[%swap3A, %swap3A_25], %add3A_24 {strides = array<i32>} : memref<16x512xf32, #tpu.memory_space<vmem>>, vector<16x512xf32>,
    %get3A_27 = arith.constant 0 : index
    %get3A_28 = arith.constant 0 : index
    %get3A_29 = vector.load %arg6[%get3A_27, %get3A_28] : memref<2048x512xf32, #tpu.memory_space<vmem>>, vector<2048x512xf32>
    %get3A_30 = arith.constant 0 : index
    %get3A_31 = arith.constant 0 : index
    %get3A_32 = arith.constant 0 : index
    %get3A_33 = vector.load %arg1[%get3A_30, %get3A_31, %get3A_32] : memref<1x1x2048xi32, #tpu.memory_space<vmem>>, vector<1x1x2048xi32>
    %get3A_34 = vector.shape_cast %get3A_33 : vector<1x1x2048xi32> to vector<1x2048xi32>
    %mul3A_35 = arith.constant 4 : i32
    %mul3A_36 = vector.broadcast %mul3A_35 : i32 to vector<1x2048xi32>
    %mul3A_37 = arith.muli %get3A_34, %mul3A_36 : vector<1x2048xi32>
    %get3A_38 = arith.constant 0 : index
    %get3A_39 = arith.constant 0 : index
    %get3A_40 = arith.constant 0 : index
    %get3A_41 = vector.load %arg2[%get3A_38, %get3A_39, %get3A_40] : memref<1x1x2048xi32, #tpu.memory_space<vmem>>, vector<1x1x2048xi32>
    %get3A_42 = vector.shape_cast %get3A_41 : vector<1x1x2048xi32> to vector<1x2048xi32>
    %add3A_43 = arith.addi %mul3A_37, %get3A_42 : vector<1x2048xi32>
    %add3A_44 = arith.constant 1 : i32
    %add3A_45 = vector.broadcast %add3A_44 : i32 to vector<1x2048xi32>
    %add3A_46 = arith.addi %add3A_43, %add3A_45 : vector<1x2048xi32>
    %get3A_47 = arith.constant 0 : index
    %get3A_48 = arith.constant 0 : index
    %get3A_49 = arith.constant 0 : index
    %get3A_50 = vector.load %arg3[%get3A_47, %get3A_48, %get3A_49] : memref<1x1x2048xi32, #tpu.memory_space<vmem>>, vector<1x1x2048xi32>
    %get3A_51 = vector.shape_cast %get3A_50 : vector<1x1x2048xi32> to vector<1x2048xi32>
    %add3A_52 = arith.addi %add3A_46, %get3A_51 : vector<1x2048xi32>
    %rem3A = arith.constant 16 : i32
    %rem3A_53 = vector.broadcast %rem3A : i32 to vector<1x2048xi32>
    %rem3A_54 = arith.remsi %add3A_52, %rem3A_53 : vector<1x2048xi32>
    %iota3A_55 = tpu.iota {dimensions = array<i32: 0>} : vector<16x2048xi32>
    %eq3A_56 = vector.broadcast %add3A_43 : vector<1x2048xi32> to vector<16x2048xi32>
    %eq3A_57 = arith.cmpi eq, %iota3A_55, %eq3A_56 : vector<16x2048xi32>
    %convert_element_type3A_58 = arith.extui %eq3A_57 : vector<16x2048xi1> to vector<16x2048xi32>
    %convert_element_type3A_59 = arith.sitofp %convert_element_type3A_58 : vector<16x2048xi32> to vector<16x2048xf32>
    %eq3A_60 = vector.broadcast %rem3A_54 : vector<1x2048xi32> to vector<16x2048xi32>
    %eq3A_61 = arith.cmpi eq, %iota3A_55, %eq3A_60 : vector<16x2048xi32>
    %convert_element_type3A_62 = arith.extui %eq3A_61 : vector<16x2048xi1> to vector<16x2048xi32>
    %convert_element_type3A_63 = arith.sitofp %convert_element_type3A_62 : vector<16x2048xi32> to vector<16x2048xf32>
    %get3A_64 = arith.constant 0 : index
    %get3A_65 = arith.constant 0 : index
    %get3A_66 = vector.load %arg13[%get3A_64, %get3A_65] : memref<16x512xf32, #tpu.memory_space<vmem>>, vector<16x512xf32>
    %dot_general3A_67 = arith.constant dense<0.000000e+00> : vector<16x512xf32>
    %dot_general3A_68 = tpu.matmul %convert_element_type3A_59, %get3A_29, %dot_general3A_67 {dimension_numbers = #tpu.dot_dimension_numbers<[1], [0], [0], [1], [0, 0, 1, 1], [], []>, transpose_lhs_hint = false} : vector<16x2048xf32>, vector<2048x512xf32>, vector<16x512xf32> -> vector<16x512xf32>
    %add3A_69 = arith.addf %get3A_66, %dot_general3A_68 : vector<16x512xf32>
    %swap3A_70 = arith.constant 0 : index
    %swap3A_71 = arith.constant 0 : index
    %swap3A_72 = vector.load %arg13[%swap3A_70, %swap3A_71] : memref<16x512xf32, #tpu.memory_space<vmem>>, vector<16x512xf32>
    tpu.vector_store %arg13[%swap3A_70, %swap3A_71], %add3A_69 {strides = array<i32>} : memref<16x512xf32, #tpu.memory_space<vmem>>, vector<16x512xf32>,
    %get3A_73 = arith.constant 0 : index
    %get3A_74 = arith.constant 0 : index
    %get3A_75 = vector.load %arg14[%get3A_73, %get3A_74] : memref<16x1xf32, #tpu.memory_space<vmem>>, vector<16x1xf32>
    %reduce_sum3A = arith.constant dense<0.000000e+00> : vector<16xf32>
    %reduce_sum3A_76 = vector.multi_reduction <add>, %convert_element_type3A_59, %reduce_sum3A [1] : vector<16x2048xf32> to vector<16xf32>
    %broadcast_in_dim3A = vector.shape_cast %reduce_sum3A_76 : vector<16xf32> to vector<16x1xf32>
    %add3A_77 = arith.addf %get3A_75, %broadcast_in_dim3A : vector<16x1xf32>
    %swap3A_78 = arith.constant 0 : index
    %swap3A_79 = arith.constant 0 : index
    %swap3A_80 = vector.load %arg14[%swap3A_78, %swap3A_79] : memref<16x1xf32, #tpu.memory_space<vmem>>, vector<16x1xf32>
    tpu.vector_store %arg14[%swap3A_78, %swap3A_79], %add3A_77 {strides = array<i32>} : memref<16x1xf32, #tpu.memory_space<vmem>>, vector<16x1xf32>,
    %get3A_81 = arith.constant 0 : index
    %get3A_82 = arith.constant 0 : index
    %get3A_83 = vector.load %arg8[%get3A_81, %get3A_82] : memref<16x512xf32, #tpu.memory_space<vmem>>, vector<16x512xf32>
    %sub3A = arith.constant 9.99999997E-7 : f32
    %sub3A_84 = vector.broadcast %sub3A : f32 to vector<16x512xf32>
    %sub3A_85 = arith.subf %get3A_83, %sub3A_84 : vector<16x512xf32>
    %dot_general3A_86 = arith.constant dense<0.000000e+00> : vector<16x2048xf32>
    %dot_general3A_87 = tpu.matmul %sub3A_85, %get3A_29, %dot_general3A_86 {dimension_numbers = #tpu.dot_dimension_numbers<[1], [1], [0], [0], [0, 0, 1, 0], [], []>, transpose_lhs_hint = false} : vector<16x512xf32>, vector<2048x512xf32>, vector<16x2048xf32> -> vector<16x2048xf32>
    %mul3A_88 = arith.mulf %sub3A_85, %sub3A_85 : vector<16x512xf32>
    %reduce_sum3A_89 = arith.constant dense<0.000000e+00> : vector<16xf32>
    %reduce_sum3A_90 = vector.multi_reduction <add>, %mul3A_88, %reduce_sum3A_89 [1] : vector<16x512xf32> to vector<16xf32>
    %broadcast_in_dim3A_91 = vector.shape_cast %reduce_sum3A_90 : vector<16xf32> to vector<16x1xf32>
    %mul3A_92 = arith.constant 2.000000e+00 : f32
    %mul3A_93 = vector.broadcast %mul3A_92 : f32 to vector<16x2048xf32>
    %mul3A_94 = arith.mulf %mul3A_93, %dot_general3A_87 : vector<16x2048xf32>
    %sub3A_95 = vector.broadcast %broadcast_in_dim3A_91 : vector<16x1xf32> to vector<16x2048xf32>
    %sub3A_96 = arith.subf %sub3A_95, %mul3A_94 : vector<16x2048xf32>
    %mul3A_97 = arith.mulf %convert_element_type3A_59, %sub3A_96 : vector<16x2048xf32>
    %reduce_sum3A_98 = arith.constant dense<0.000000e+00> : vector<2048xf32>
    %reduce_sum3A_99 = vector.multi_reduction <add>, %mul3A_97, %reduce_sum3A_98 [0] : vector<16x2048xf32> to vector<2048xf32>
    %broadcast_in_dim3A_100 = vector.shape_cast %reduce_sum3A_99 : vector<2048xf32> to vector<1x2048xf32>
    %mul3A_101 = arith.mulf %convert_element_type3A_63, %sub3A_96 : vector<16x2048xf32>
    %reduce_sum3A_102 = arith.constant dense<0.000000e+00> : vector<2048xf32>
    %reduce_sum3A_103 = vector.multi_reduction <add>, %mul3A_101, %reduce_sum3A_102 [0] : vector<16x2048xf32> to vector<2048xf32>
    %broadcast_in_dim3A_104 = vector.shape_cast %reduce_sum3A_103 : vector<2048xf32> to vector<1x2048xf32>
    %mul3A_105 = arith.mulf %get3A_29, %get3A_29 : vector<2048x512xf32>
    %reduce_sum3A_106 = arith.constant dense<0.000000e+00> : vector<2048xf32>
    %reduce_sum3A_107 = vector.multi_reduction <add>, %mul3A_105, %reduce_sum3A_106 [1] : vector<2048x512xf32> to vector<2048xf32>
    %reshape3A = vector.shape_cast %reduce_sum3A_107 : vector<2048xf32> to vector<1x2048xf32>
    %add3A_108 = arith.addf %reshape3A, %broadcast_in_dim3A_100 : vector<1x2048xf32>
    %max3A = arith.constant 0.000000e+00 : f32
    %max3A_109 = vector.broadcast %max3A : f32 to vector<1x2048xf32>
    %max3A_110 = arith.maximumf %add3A_108, %max3A_109 : vector<1x2048xf32>
    %sqrt3A = math.sqrt %max3A_110 : vector<1x2048xf32>
    %add3A_111 = arith.addf %reshape3A, %broadcast_in_dim3A_104 : vector<1x2048xf32>
    %max3A_112 = arith.constant 0.000000e+00 : f32
    %max3A_113 = vector.broadcast %max3A_112 : f32 to vector<1x2048xf32>
    %max3A_114 = arith.maximumf %add3A_111, %max3A_113 : vector<1x2048xf32>
    %sqrt3A_115 = math.sqrt %max3A_114 : vector<1x2048xf32>
    %get3A_116 = arith.constant 0 : index
    %get3A_117 = arith.constant 0 : index
    %get3A_118 = vector.load %arg15[%get3A_116, %get3A_117] : memref<1x1xf32, #tpu.memory_space<vmem>>, vector<1x1xf32>
    %sub3A_119 = arith.subf %sqrt3A, %sqrt3A_115 : vector<1x2048xf32>
    %add3A_120 = arith.constant 2.000000e-01 : f32
    %add3A_121 = vector.broadcast %add3A_120 : f32 to vector<1x2048xf32>
    %add3A_122 = arith.addf %sub3A_119, %add3A_121 : vector<1x2048xf32>
    %max3A_123 = arith.constant 0.000000e+00 : f32
    %max3A_124 = vector.broadcast %max3A_123 : f32 to vector<1x2048xf32>
    %max3A_125 = arith.maximumf %add3A_122, %max3A_124 : vector<1x2048xf32>
    %reduce_sum3A_126 = vector.shape_cast %max3A_125 : vector<1x2048xf32> to vector<1x1x2048xf32>
    %reduce_sum3A_127 = arith.constant dense<0.000000e+00> : vector<1xf32>
    %reduce_sum3A_128 = vector.multi_reduction <add>, %reduce_sum3A_126, %reduce_sum3A_127 [1, 2] : vector<1x1x2048xf32> to vector<1xf32>
    %reduce_sum3A_129 = vector.shape_cast %reduce_sum3A_128 : vector<1xf32> to vector<1x1x1xf32>
    %reduce_sum3A_130 = vector.extract %reduce_sum3A_129[0, 0, 0] : f32 from vector<1x1x1xf32>
    %broadcast_in_dim3A_131 = vector.broadcast %reduce_sum3A_130 : f32 to vector<1x1xf32>
    %add3A_132 = arith.addf %get3A_118, %broadcast_in_dim3A_131 : vector<1x1xf32>
    %swap3A_133 = arith.constant 0 : index
    %swap3A_134 = arith.constant 0 : index
    %swap3A_135 = vector.load %arg15[%swap3A_133, %swap3A_134] : memref<1x1xf32, #tpu.memory_space<vmem>>, vector<1x1xf32>
    tpu.vector_store %arg15[%swap3A_133, %swap3A_134], %add3A_132 {strides = array<i32>} : memref<1x1xf32, #tpu.memory_space<vmem>>, vector<1x1xf32>,
    %eq3A_136 = arith.constant 7 : i32
    %eq3A_137 = arith.cmpi eq, %arg0, %eq3A_136 : i32
    %convert_element_type3A_138 = arith.extui %eq3A_137 : i1 to i32
    %cond3A_139 = arith.constant 0 : i32
    %cond3A_140 = arith.cmpi ne, %convert_element_type3A_138, %cond3A_139 : i32
    scf.if %cond3A_140 {
      %get3A_141 = arith.constant 0 : index
      %get3A_142 = arith.constant 0 : index
      %get3A_143 = vector.load %arg15[%get3A_141, %get3A_142] : memref<1x1xf32, #tpu.memory_space<vmem>>, vector<1x1xf32>
      %div3A = arith.constant 1.638400e+04 : f32
      %div3A_144 = vector.broadcast %div3A : f32 to vector<1x1xf32>
      %div3A_145 = arith.divf %get3A_143, %div3A_144 : vector<1x1xf32>
      %swap3A_146 = arith.constant 0 : index
      %swap3A_147 = arith.constant 0 : index
      %swap3A_148 = vector.load %arg10[%swap3A_146, %swap3A_147] : memref<1x1xf32, #tpu.memory_space<vmem>>, vector<1x1xf32>
      tpu.vector_store %arg10[%swap3A_146, %swap3A_147], %div3A_145 {strides = array<i32>} : memref<1x1xf32, #tpu.memory_space<vmem>>, vector<1x1xf32>,
      %get3A_149 = arith.constant 0 : index
      %get3A_150 = arith.constant 0 : index
      %get3A_151 = vector.load %arg13[%get3A_149, %get3A_150] : memref<16x512xf32, #tpu.memory_space<vmem>>, vector<16x512xf32>
      %get3A_152 = arith.constant 0 : index
      %get3A_153 = arith.constant 0 : index
      %get3A_154 = vector.load %arg14[%get3A_152, %get3A_153] : memref<16x1xf32, #tpu.memory_space<vmem>>, vector<16x1xf32>
      %max3A_155 = arith.constant 1.000000e+00 : f32
      %max3A_156 = vector.broadcast %max3A_155 : f32 to vector<16x1xf32>
      %max3A_157 = arith.maximumf %get3A_154, %max3A_156 : vector<16x1xf32>
      %div3A_158 = vector.broadcast %max3A_157 : vector<16x1xf32> to vector<16x512xf32>
      %div3A_159 = arith.divf %get3A_151, %div3A_158 : vector<16x512xf32>
      %get3A_160 = arith.constant 0 : index
      %get3A_161 = arith.constant 0 : index
      %get3A_162 = vector.load %arg9[%get3A_160, %get3A_161] : memref<16x512xf32, #tpu.memory_space<vmem>>, vector<16x512xf32>
      %mul3A_163 = arith.constant 0.899999976 : f32
      %mul3A_164 = vector.broadcast %mul3A_163 : f32 to vector<16x512xf32>
      %mul3A_165 = arith.mulf %mul3A_164, %get3A_162 : vector<16x512xf32>
      %mul3A_166 = arith.constant 1.000000e-01 : f32
      %mul3A_167 = vector.broadcast %mul3A_166 : f32 to vector<16x512xf32>
      %mul3A_168 = arith.mulf %mul3A_167, %div3A_159 : vector<16x512xf32>
      %add3A_169 = arith.addf %mul3A_165, %mul3A_168 : vector<16x512xf32>
      %get3A_170 = arith.constant 0 : index
      %get3A_171 = arith.constant 0 : index
      %get3A_172 = vector.load %arg14[%get3A_170, %get3A_171] : memref<16x1xf32, #tpu.memory_space<vmem>>, vector<16x1xf32>
      %gt3A = arith.constant 0.000000e+00 : f32
      %gt3A_173 = vector.broadcast %gt3A : f32 to vector<16x1xf32>
      %gt3A_174 = arith.cmpf ogt, %get3A_172, %gt3A_173 : vector<16x1xf32>
      %get3A_175 = arith.constant 0 : index
      %get3A_176 = arith.constant 0 : index
      %get3A_177 = vector.load %arg9[%get3A_175, %get3A_176] : memref<16x512xf32, #tpu.memory_space<vmem>>, vector<16x512xf32>
      %broadcast_in_dim3A_178 = vector.shape_cast %gt3A_174 : vector<16x1xi1> to vector<16x1xi1>
      %broadcast_in_dim3A_179 = vector.broadcast %broadcast_in_dim3A_178 : vector<16x1xi1> to vector<16x512xi1>
      %select_n3A = arith.select %broadcast_in_dim3A_179, %add3A_169, %get3A_177 : vector<16x512xi1>, vector<16x512xf32>
      %swap3A_180 = arith.constant 0 : index
      %swap3A_181 = arith.constant 0 : index
      %swap3A_182 = vector.load %arg11[%swap3A_180, %swap3A_181] : memref<16x512xf32, #tpu.memory_space<vmem>>, vector<16x512xf32>
      tpu.vector_store %arg11[%swap3A_180, %swap3A_181], %select_n3A {strides = array<i32>} : memref<16x512xf32, #tpu.memory_space<vmem>>, vector<16x512xf32>,
      %get3A_183 = arith.constant 0 : index
      %get3A_184 = arith.constant 0 : index
      %get3A_185 = vector.load %arg16[%get3A_183, %get3A_184] : memref<16x512xf32, #tpu.memory_space<vmem>>, vector<16x512xf32>
      %swap3A_186 = arith.constant 0 : index
      %swap3A_187 = arith.constant 0 : index
      %swap3A_188 = vector.load %arg12[%swap3A_186, %swap3A_187] : memref<16x512xf32, #tpu.memory_space<vmem>>, vector<16x512xf32>
      tpu.vector_store %arg12[%swap3A_186, %swap3A_187], %get3A_185 {strides = array<i32>} : memref<16x512xf32, #tpu.memory_space<vmem>>, vector<16x512xf32>,
    } else {
    }
    return
  }
  func.func @transform_0(%arg0: i32) -> (i32, i32, i32) {
    %c0_i32 = arith.constant 0 : i32
    %c0_i32_0 = arith.constant 0 : i32
    %c0_i32_1 = arith.constant 0 : i32
    return %arg0, %c0_i32, %c0_i32_0 : i32, i32, i32
  }
  func.func @transform_1(%arg0: i32) -> (i32, i32, i32) {
    %c0_i32 = arith.constant 0 : i32
    %c0_i32_0 = arith.constant 0 : i32
    %c0_i32_1 = arith.constant 0 : i32
    return %arg0, %c0_i32, %c0_i32_0 : i32, i32, i32
  }
  func.func @transform_2(%arg0: i32) -> (i32, i32, i32) {
    %c0_i32 = arith.constant 0 : i32
    %c0_i32_0 = arith.constant 0 : i32
    %c0_i32_1 = arith.constant 0 : i32
    return %arg0, %c0_i32, %c0_i32_0 : i32, i32, i32
  }
  func.func @transform_3(%arg0: i32) -> (i32, i32, i32) {
    %c0_i32 = arith.constant 0 : i32
    %c0_i32_0 = arith.constant 0 : i32
    %c0_i32_1 = arith.constant 0 : i32
    return %arg0, %c0_i32, %c0_i32_0 : i32, i32, i32
  }
  func.func @transform_4(%arg0: i32) -> (i32, i32, i32) {
    %c0_i32 = arith.constant 0 : i32
    %c0_i32_0 = arith.constant 0 : i32
    %c0_i32_1 = arith.constant 0 : i32
    return %arg0, %c0_i32, %c0_i32_0 : i32, i32, i32
  }
  func.func @transform_5(%arg0: i32) -> (i32, i32) {
    %c0_i32 = arith.constant 0 : i32
    %c0_i32_0 = arith.constant 0 : i32
    return %arg0, %c0_i32 : i32, i32
  }
  func.func @transform_6(%arg0: i32) -> (i32, i32) {
    %c0_i32 = arith.constant 0 : i32
    %c0_i32_0 = arith.constant 0 : i32
    return %arg0, %c0_i32 : i32, i32
  }
  func.func @transform_7(%arg0: i32) -> (i32, i32) {
    %c0_i32 = arith.constant 0 : i32
    %c0_i32_0 = arith.constant 0 : i32
    %c0_i32_1 = arith.constant 0 : i32
    return %c0_i32, %c0_i32_0 : i32, i32
  }
  func.func @transform_8(%arg0: i32) -> (i32, i32) {
    %c0_i32 = arith.constant 0 : i32
    %c0_i32_0 = arith.constant 0 : i32
    %c0_i32_1 = arith.constant 0 : i32
    return %c0_i32, %c0_i32_0 : i32, i32
  }
  func.func @transform_9(%arg0: i32) -> (i32, i32) {
    %c0_i32 = arith.constant 0 : i32
    %c0_i32_0 = arith.constant 0 : i32
    %c0_i32_1 = arith.constant 0 : i32
    return %c0_i32, %c0_i32_0 : i32, i32
  }
  func.func @transform_10(%arg0: i32) -> (i32, i32) {
    %c0_i32 = arith.constant 0 : i32
    %c0_i32_0 = arith.constant 0 : i32
    %c0_i32_1 = arith.constant 0 : i32
    return %c0_i32, %c0_i32_0 : i32, i32
  }
  func.func @transform_11(%arg0: i32) -> (i32, i32) {
    %c0_i32 = arith.constant 0 : i32
    %c0_i32_0 = arith.constant 0 : i32
    %c0_i32_1 = arith.constant 0 : i32
    return %c0_i32, %c0_i32_0 : i32, i32
  }
}

</mosaic_0001>

<sc_bundles>
// kernel: _run.5.cloned.1.call-start
scs
__scs_entry_jumppad:
0x0: {  	(pc) =	sbr.rel $0x88, $3  }
0x1: {  	(tag) =	ssettag $0x0;
	lr =	simm.s32 $0x1  }
0x2: {  	[smem:$0x3F98] =	sst lr;
	_ =	strace $0xD0000000  }
0x3: {  	_ = 	snop  }
0x4: {  	_ = 	snop  }
0x5: {  	_ = 	snop  }
0x6: {  	_ = 	snop  }
0x7: {  	_ = 	snop  }
__scs_overlays_trampoline_lowered:
0x8: {  	[smem:$0x3FA7] =	sst s0  }
0x9: {  	[smem:$0x3FA8] =	sst s1  }
0xa: {  	[smem:$0x3FA9] =	sst s2  }
0xb: {  	[smem:$0x3FAA] =	sst s3  }
0xc: {  	[smem:$0x3FAB] =	sst s4  }
0xd: {  	[smem:$0x3FAC] =	sst s5  }
0xe: {  	[smem:$0x3FAD] =	sst s6  }
0xf: {  	[smem:$0x3FAE] =	sst s7  }
0x10: {  	[smem:$0x3FAF] =	sst s8  }
0x11: {  	[smem:$0x3FB0] =	sst s9;
	s0 =	simm.s32 @!p0 $0x0  }
0x12: {  	s1 =	sld [smem:$0x3F96];
	s0 =	simm.s32 @p0 $0x1  }
0x13: {  	[smem:$0x3FB1] =	sst s0;
	s0 =	simm.s32 @!p1 $0x0  }
0x14: {  	s2 =	sld [smem:$0x3F95];
	s0 =	simm.s32 @p1 $0x1  }
0x15: {  	[smem:$0x3FB2] =	sst s0;
	s0 =	simm.s32 @!p2 $0x0  }
0x16: {  	s3 =	sld [smem:$0x3FDB];
	s0 =	simm.s32 @p2 $0x1  }
0x17: {  	s4 =	simm.s32 $0x1BF5;
	[smem:$0x3FB4] =	sst s0  }
0x18: {  	s0 =	sld [smem:$0x3F97];
	_ =	swait.ge [sflag:s4], $0x0  }
0x19: {  	s7 =	sld [smem:$0x3F98]  }
0x1a: {  	s8 =	sadd.s32 $0xFFFFE003, lr  }
0x1b: {  	s9 =	sadd.s32 $0xFFFFFEF7, lr;
	s5 =	simm.s32 $0xFFFFFFFF;
	p2 =	slt.u32 s8, $0xFFFFF086  }
0x1c: {  	p1 =	slt.u32 s9, $0xF7A;
	s5 =	simm.s32 @!p2 $0x0  }
0x1d: {  	s5 =	simm.s32 @p1 $0x1;
	p0 =	seq.s32 s7, s2  }
0x1e: {  	s7 =	smul.u32 @!p0 $0xF7A, s2;
	p2 =	seq.s32 @!p0 s5, $0x0  }
0x1f: {  	s9 =	smul.u32 $0xF7A, s1;
	s8 =	simm.s32 @!p0 $0x1BF5;
	p2 =	por !p2, p0  }
0x20: {  	[sflag:s8] =	ssyncset.s32 @!p0 $0xFFFFF086;
	s6 =	sadd.s32 @!p0 s3, s7;
	s7 =	simm.s32 @!p0 $0x108  }
0x21: {  	s3 =	sadd.s32 s3, s9;
	s6 =	sadd.s32 @!p0 $0x88, s6;
	s7 =	simm.s32 @p2 $0x1082  }
0x22: {  	[simem:s7], [sflag:s8] =	dma.local @!p0 [hbm:s6], $0xF7A  }
0x23: {  	s9 =	sor.u32 $0xD0000000, s2;
	s6 =	simm.s32 $0x108;
	_ =	swait.ge @!p0 [sflag:s8], $0x0  }
0x24: {  	s3 =	sadd.s32 $0x88, s3;
	s6 =	simm.s32 @!p1 $0x1082;
	[sflag:s4] =	ssyncset.s32 $0xFFFFF086  }
0x25: {  	[simem:s6], [sflag:s4] =	dma.local [hbm:s3], $0xF7A  }
0x26: {  	[smem:$0x3F98] =	sst s1;
	(tag) =	ssettag s2;
	_ =	strace s9  }
0x27: {  	s1 =	sld [smem:$0x3FA8]  }
0x28: {  	s2 =	sld [smem:$0x3FA9]  }
0x29: {  	s4 =	sld [smem:$0x3FAB]  }
0x2a: {  	p0 =	seq.s32 s5, $0x0;
	s5 =	sld [smem:$0x3FAC]  }
0x2b: {  	s6 =	sld [smem:$0x3FAD]  }
0x2c: {  	s7 =	sld [smem:$0x3FAE]  }
0x2d: {  	s3 =	simm.s32 $0x108;
	s8 =	sld [smem:$0x3FAF]  }
0x2e: {  	s3 =	simm.s32 @!p0 $0x1082;
	s9 =	sld [smem:$0x3FB0]  }
0x2f: {  	lr =	sadd.s32 s0, s3;
	s0 =	sld [smem:$0x3FA7]  }
0x30: {  	s3 =	sld [smem:$0x3FAA]  }
0x31: {  	[smem:$0x3FB3] =	sst s10  }
0x32: {  	s10 =	sld [smem:$0x3FB1];
	_ =	sdelay $0x3  }
0x33: {  	p0 =	seq.s32 s10, $0x1;
	s10 =	sld [smem:$0x3FB3];
	_ =	sdelay $0x3  }
0x34: {  	[smem:$0x3FB3] =	sst s10  }
0x35: {  	s10 =	sld [smem:$0x3FB2];
	_ =	sdelay $0x3  }
0x36: {  	p1 =	seq.s32 s10, $0x1;
	s10 =	sld [smem:$0x3FB3];
	_ =	sdelay $0x3  }
0x37: {  	[smem:$0x3FB3] =	sst s10  }
0x38: {  	s10 =	sld [smem:$0x3FB4]  }
0x39: {  	_ = 	snop;
	(pc) =	sbr.ind lr, $3  }
0x3a: {  	_ = 	snop  }
0x3b: {  	_ = 	snop  }
0x3c: {  	p2 =	seq.s32 s10, $0x1;
	s10 =	sld [smem:$0x3FB3]  }
0x3d: {  	_ =	shalt  }
0x3e: {  	_ =	shalt  }
0x3f: {  	_ =	shalt  }
0x40: {  	_ =	shalt  }
0x41: {  	_ =	shalt  }
0x42: {  	_ =	shalt  }
0x43: {  	_ =	shalt  }
0x44: {  	_ =	shalt  }
0x45: {  	_ =	shalt  }
0x46: {  	_ =	shalt  }
0x47: {  	_ =	shalt  }
0x48: {  	_ =	shalt  }
0x49: {  	_ =	shalt  }
0x4a: {  	_ =	shalt  }
0x4b: {  	_ =	shalt  }
0x4c: {  	_ =	shalt  }
0x4d: {  	_ =	shalt  }
0x4e: {  	_ =	shalt  }
0x4f: {  	_ =	shalt  }
0x50: {  	_ =	shalt  }
0x51: {  	_ =	shalt  }
0x52: {  	_ =	shalt  }
0x53: {  	_ =	shalt  }
0x54: {  	_ =	shalt  }
0x55: {  	_ =	shalt  }
0x56: {  	_ =	shalt  }
0x57: {  	_ =	shalt  }
0x58: {  	_ =	shalt  }
0x59: {  	_ =	shalt  }
0x5a: {  	_ =	shalt  }
0x5b: {  	_ =	shalt  }
0x5c: {  	_ =	shalt  }
0x5d: {  	_ =	shalt  }
0x5e: {  	_ =	shalt  }
0x5f: {  	_ =	shalt  }
0x60: {  	_ =	shalt  }
0x61: {  	_ =	shalt  }
0x62: {  	_ =	shalt  }
0x63: {  	_ =	shalt  }
0x64: {  	_ =	shalt  }
0x65: {  	_ =	shalt  }
0x66: {  	_ =	shalt  }
0x67: {  	_ =	shalt  }
0x68: {  	_ =	shalt  }
0x69: {  	_ =	shalt  }
0x6a: {  	_ =	shalt  }
0x6b: {  	_ =	shalt  }
0x6c: {  	_ =	shalt  }
0x6d: {  	_ =	shalt  }
0x6e: {  	_ =	shalt  }
0x6f: {  	_ =	shalt  }
0x70: {  	_ =	shalt  }
0x71: {  	_ =	shalt  }
0x72: {  	_ =	shalt  }
0x73: {  	_ =	shalt  }
0x74: {  	_ =	shalt  }
0x75: {  	_ =	shalt  }
0x76: {  	_ =	shalt  }
0x77: {  	_ =	shalt  }
0x78: {  	_ =	shalt  }
0x79: {  	_ =	shalt  }
0x7a: {  	_ =	shalt  }
0x7b: {  	_ =	shalt  }
0x7c: {  	_ =	shalt  }
0x7d: {  	_ =	shalt  }
0x7e: {  	_ =	shalt  }
0x7f: {  	_ =	shalt  }
0x80: {  	_ =	shalt  }
0x81: {  	_ =	shalt  }
0x82: {  	_ =	shalt  }
0x83: {  	_ =	shalt  }
0x84: {  	_ =	shalt  }
0x85: {  	_ =	shalt  }
0x86: {  	_ =	shalt  }
0x87: {  	_ =	shalt  }
.Lfunc_end0:
.L_simem_size_0:
called_computation_lowered:
.L_overlay_start_0:
0x88: {  	s2 =	sld [smem:$0x3FD9]  }
0x89: {  	s3 =	sld [smem:$0x3FFE];
	_ =	sdelay $0x1  }
0x8a: {  	s1 =	srdreg.scid  }
0x8b: {  	s0 =	sand.u32 $0x1, s1  }
0x8c: {  	s14 =	sshll.u32 s0, $0xA;
	s2 =	sadd.s32 s3, s2  }
0x8d: {  	s2 =	sadd.s32 s2, s14  }
0x8e: {  	[smem:$0x3FBF] =	sst s2  }
0x8f: {  	_ = 	snop  }
0x90: {  	s2 =	sld [smem:$0x3FD0];
	_ =	sdelay $0x2  }
0x91: {  	s15 =	simm.s32 $0xA;
	s4 =	simm.s32 $0x10  }
0x92: {  	[smem:s4], [sflag:s15] =	dma.local [hbm:s2], $0x1  }
0x93: {  	_ =	swait.eq [sflag:s15], $0x1  }
0x94: {  	[sflag:s15] =	ssyncset.done $0x0  }
0x95: {  	[sflag:s15] =	ssyncadd.s32 $0xFFFFFFFF  }
0x96: {  	s16 =	sld [smem:$0x11];
	(tm) =	ssettm $0x1  }
0x97: {  	s17 =	sld [smem:$0x3FFB];
	_ =	sdelay $0x3  }
0x98: {  	_ =	strace s17  }
0x99: {  	s3 =	sld [smem:$0x3FFC];
	_ =	sdelay $0x3  }
0x9a: {  	_ =	strace s3  }
0x9b: {  	s3 =	sld [smem:$0x3FFD];
	_ =	sdelay $0x3  }
0x9c: {  	_ =	strace s3  }
0x9d: {  	_ =	strace $0x8FFFFFFF  }
0x9e: {  	s18 =	sld [smem:$0x3FDB];
	_ =	sdelay $0x1  }
0x9f: {  	s19 =	simm.s32 $_scs_section_size  }
0xa0: {  	s5 =	simm.s32 $_size__tile_overlayer_lowered;
	s6 =	simm.s32 $_tile_overlayer_lowered  }
0xa1: {  	s22 =	simm.s32 $0x1BFF;
	s21 =	sshll.u32 s6, $0x1;
	s3 =	sadd.s32 s19, s18  }
0xa2: {  	s7 =	simm.s32 $0x0;
	s20 =	sshll.u32 s5, $0x1;
	s5 =	sadd.s32 s21, s3  }
0xa3: {  	[timem:s7], [sflag:s22] =	dma.local [hbm:s5], s20  }
0xa4: {  	_ =	swait.ge [sflag:s22], s20  }
0xa5: {  	s4 =	ssub.s32 $0x0, s20;
	[sflag:s22] =	ssyncset.done $0x0  }
0xa6: {  	[sflag:s22] =	ssyncadd.s32 s4;
	_ =	sdelay $0x1  }
0xa7: {  	s23 =	simm.s32 $0x1B8B  }
0xa8: {  	_ =	swait.ge [sflag:s23], $0x1  }
0xa9: {  	[sflag:s23] =	ssyncset.done $0x0  }
0xaa: {  	s25 =	simm.s32 $0x1B8E;
	s24 =	sld [smem:$0x3FFE];
	[sflag:s23] =	ssyncadd.s32 $0xFFFFFFFF  }
0xab: {  	s26 =	simm.s32 $execute0_lowered;
	[smem:$0x3FD2] =	sst s25  }
0xac: {  	s5 =	sshll.u32 s26, $0x1;
	_ =	strace $0x80000046;
	[dreg:$0x1] =	wrdreg $0xFFFFFFFF  }
0xad: {  	s28 =	simm.s32 $_size_execute0_lowered;
	s3 =	sadd.s32 s3, s5;
	[dreg:$0x0] =	wrdreg $0x0  }
0xae: {  	s5 =	sshll.u32 s28, $0x1;
	[dreg:$0x2] =	wrdreg s3  }
0xaf: {  	[dreg:$0x3] =	wrdreg s5  }
0xb0: {  	[dreg:$0x4] =	wrdreg $0xC0  }
0xb1: {  	_ =	task [dreg:s7], $0x5FFFF  }
0xb2: {  	[dreg:$0x1] =	wrdreg $0xFFFFFFFF  }
0xb3: {  	[dreg:$0x0] =	wrdreg $0x60  }
0xb4: {  	[dreg:$0x2] =	wrdreg s24  }
0xb5: {  	[dreg:$0x3] =	wrdreg s16  }
0xb6: {  	[dreg:$0x4] =	wrdreg $0x9  }
0xb7: {  	_ =	task.clear_ibuf [dreg:s7], $0x5FFFF;
	_ =	strace $0x90000046  }
0xb8: {  	s29 =	simm.s32 $0x9;
	_ =	strace $0x80000048  }
0xb9: {  	_ =	swait.ge [sflag:s29], $0x1  }
0xba: {  	[sflag:s29] =	ssyncadd.s32 $0xFFFFFFFF  }
0xbb: {  	_ =	strace $0x90000048  }
0xbc: {  	_ =	sfence  }
0xbd: {  	s30 =	sld [smem:$0x0];
	_ =	sdelay $0x2  }
0xbe: {  	s31 =	sshll.u32 s1, $0xD;
	s1 =	sshrl.u32 s1, $0x2  }
0xbf: {  	s3 =	sand.u32 $0x4000, s31;
	s1 =	sadd.s32 s1, s30  }
0xc0: {  	s0 =	sor.u32 s3, s0;
	s1 =	sshll.u32 s1, $0x11  }
0xc1: {  	s0 =	sor.u32 s1, s0  }
0xc2: {  	s0 =	sadd.s32 $0x8F2B, s0  }
0xc3: {  	[sflag:s0] =	ssyncadd.remote.s32 $0x1  }
0xc4: {  	_ =	sfence.sel $0xFFFF  }
0xc5: {  	[dreg:$0x0] =	wrdreg $0xFFFFFFFF;
	(pc) =	sbr.abs _section_cstart, $3  }
0xc6: {  	[dreg:$0x1] =	wrdreg $0xFFFFFFFF  }
0xc7: {  	_ =	task.clear_ibuf [dreg:s7], $0x2FFFF;
	_ =	strace $0x9FFFFFFF  }
0xc8: {  	(tm) =	ssettm $0x7FFFFFFF  }
0xc9: {  	_ =	shalt  }
tec
execute0_lowered:
.L_overlay_start_1:
0x0: {  	(tag) =	ssettag $0x1  }
0x1: {  	s0 =	rddreg [dreg:$0x0]  }
0x2: {  	s1 =	srdreg.scid;
	s3 =	stileid.u32;
	s7 =	simm.s32 $0x0  }
0x3: {  	s1 =	sand.u32 $0x1, s1;
	s3 =	sshll.u32 s3, $0x1;
	[smem:$0x7FF] =	sst s7  }
0x4: {  	s2 =	rddreg [dreg:$0x1];
	s3 =	sor.u32 s1, s3;
	_ =	strace $0x80000047  }
0x5: {  	s1 =	ssub.s32 $0x2, s1;
	s4 =	sshll.u32 s3, $0xD;
	s5 =	sshll.u32 s3, $0x4  }
0x6: {  	s3 =	sshll.u32 s3, $0xA;
	s6 =	sadd.s32 s5, s0;
	s2 =	sadd.s32 s2, s5  }
0x7: {  	s4 =	sadd.s32 s4, s0;
	[smem:$0x7F8] =	sst s2;
	s28 =	sadd.s32 $0x41600, s6  }
0x8: {  	s26 =	sshrl.u32 s1, $0x1;
	s29 =	sadd.s32 $0x1600, s4;
	[smem:$0x7F9] =	sst s28  }
0x9: {  	s0 =	sadd.s32 s3, s0;
	s30 =	sadd.s32 $0x2600, s4;
	[smem:$0x7FA] =	sst s29  }
0xa: {  	s1 =	ssub.s32 s1, s26;
	s0 =	sadd.s32 $0x41800, s0;
	[smem:$0x7FB] =	sst s30  }
0xb: {  	s31 =	smax.u32 s1, $0x1;
	[smem:$0x7FC] =	sst s0  }
0xc: {  	v0 =	vimm.f32 $0.0e+00;
	s5 =	simm.s32 $0x3;
	s1 =	simm.s32 $0x0;
	[smem:$0x7FD] =	sst s31  }
.LBB2_1:
0xd: {  	s0 =	sand.u32 $0x1000, s7;
	s31 =	sand.u32 $0x380, s7  }
0xe: {  	[smem:$0x7F7] =	sst s1;
	s1 =	sor.u32 s31, s0  }
0xf: {  	s0 =	sadd.s32 $0x10200, s1;
	[tilespmem:s1+$0x10200] =	vst v0  }
0x10: {  	[tilespmem:s0+$0xC70] =	vst v0  }
0x11: {  	[tilespmem:s0+$0x10] =	vst v0  }
0x12: {  	[tilespmem:s0+$0x20] =	vst v0  }
0x13: {  	[tilespmem:s0+$0x30] =	vst v0  }
0x14: {  	[tilespmem:s0+$0x40] =	vst v0  }
0x15: {  	[tilespmem:s0+$0x50] =	vst v0  }
0x16: {  	[tilespmem:s0+$0x60] =	vst v0  }
0x17: {  	[tilespmem:s0+$0x70] =	vst v0  }
0x18: {  	[tilespmem:s0+$0x400] =	vst v0  }
0x19: {  	[tilespmem:s0+$0x410] =	vst v0  }
0x1a: {  	[tilespmem:s0+$0x420] =	vst v0  }
0x1b: {  	[tilespmem:s0+$0x430] =	vst v0  }
0x1c: {  	[tilespmem:s0+$0x440] =	vst v0  }
0x1d: {  	[tilespmem:s0+$0x450] =	vst v0  }
0x1e: {  	[tilespmem:s0+$0x460] =	vst v0  }
0x1f: {  	[tilespmem:s0+$0x470] =	vst v0  }
0x20: {  	[tilespmem:s0+$0x800] =	vst v0  }
0x21: {  	[tilespmem:s0+$0x810] =	vst v0  }
0x22: {  	[tilespmem:s0+$0x820] =	vst v0  }
0x23: {  	[tilespmem:s0+$0x830] =	vst v0  }
0x24: {  	[tilespmem:s0+$0x840] =	vst v0  }
0x25: {  	[tilespmem:s0+$0x850] =	vst v0  }
0x26: {  	[tilespmem:s0+$0x860] =	vst v0  }
0x27: {  	[tilespmem:s0+$0x870] =	vst v0  }
0x28: {  	[tilespmem:s0+$0xC00] =	vst v0  }
0x29: {  	[tilespmem:s0+$0xC10] =	vst v0  }
0x2a: {  	[tilespmem:s0+$0xC20] =	vst v0  }
0x2b: {  	[tilespmem:s0+$0xC30] =	vst v0  }
0x2c: {  	s2 =	simm.s32 $0x200;
	s1 =	simm.s32 $0x80;
	[tilespmem:s0+$0xC40] =	vst v0  }
0x2d: {  	s3 =	sand.u32 $0x1000, s2;
	s2 =	simm.s32 $0x400;
	s4 =	sand.u32 $0x380, s1;
	[tilespmem:s0+$0xC50] =	vst v0  }
.LBB2_2:
0x2e: {  	p0 =	sne.s32 s2, $0x1E00;
	s3 =	sor.u32 s4, s3;
	[tilespmem:s0+$0xC60] =	vst v0  }
0x2f: {  	s0 =	sadd.s32 $0x10200, s3;
	[tilespmem:s3+$0x10200] =	vst v0  }
0x30: {  	[tilespmem:s0+$0xC70] =	vst v0  }
0x31: {  	[tilespmem:s0+$0x10] =	vst v0  }
0x32: {  	[tilespmem:s0+$0x20] =	vst v0  }
0x33: {  	[tilespmem:s0+$0x30] =	vst v0  }
0x34: {  	[tilespmem:s0+$0x40] =	vst v0  }
0x35: {  	[tilespmem:s0+$0x50] =	vst v0  }
0x36: {  	[tilespmem:s0+$0x60] =	vst v0  }
0x37: {  	[tilespmem:s0+$0x70] =	vst v0  }
0x38: {  	[tilespmem:s0+$0x400] =	vst v0  }
0x39: {  	[tilespmem:s0+$0x410] =	vst v0  }
0x3a: {  	[tilespmem:s0+$0x420] =	vst v0  }
0x3b: {  	[tilespmem:s0+$0x430] =	vst v0  }
0x3c: {  	[tilespmem:s0+$0x440] =	vst v0  }
0x3d: {  	[tilespmem:s0+$0x450] =	vst v0  }
0x3e: {  	[tilespmem:s0+$0x460] =	vst v0  }
0x3f: {  	[tilespmem:s0+$0x470] =	vst v0  }
0x40: {  	[tilespmem:s0+$0x800] =	vst v0  }
0x41: {  	[tilespmem:s0+$0x810] =	vst v0  }
0x42: {  	[tilespmem:s0+$0x820] =	vst v0  }
0x43: {  	[tilespmem:s0+$0x830] =	vst v0  }
0x44: {  	[tilespmem:s0+$0x840] =	vst v0  }
0x45: {  	[tilespmem:s0+$0x850] =	vst v0  }
0x46: {  	[tilespmem:s0+$0x860] =	vst v0  }
0x47: {  	[tilespmem:s0+$0x870] =	vst v0  }
0x48: {  	[tilespmem:s0+$0xC00] =	vst v0  }
.Ltmp0:
0x49: {  	[tilespmem:s0+$0xC10] =	vst v0;
	(pc) =	sbr.rel @p0 .LBB2_2-.Ltmp0, $4  }
0x4a: {  	[tilespmem:s0+$0xC20] =	vst v0  }
0x4b: {  	[tilespmem:s0+$0xC30] =	vst v0  }
0x4c: {  	s1 =	sadd.s32 $0x80, s1;
	[tilespmem:s0+$0xC40] =	vst v0  }
0x4d: {  	s3 =	sand.u32 $0x1000, s2;
	s4 =	sand.u32 $0x380, s1;
	s2 =	sadd.s32 $0x200, s2;
	[tilespmem:s0+$0xC50] =	vst v0  }
0x4e: {  	s1 =	sor.u32 s4, s3;
	[tilespmem:s0+$0xC60] =	vst v0  }
0x4f: {  	s24 =	sadd.s32 $0x10200, s1;
	[tilespmem:s1+$0x10200] =	vst v0  }
0x50: {  	[tilespmem:s24+$0xC70] =	vst v0  }
0x51: {  	[tilespmem:s24+$0x10] =	vst v0  }
0x52: {  	[tilespmem:s24+$0x20] =	vst v0  }
0x53: {  	[tilespmem:s24+$0x30] =	vst v0  }
0x54: {  	[tilespmem:s24+$0x40] =	vst v0  }
0x55: {  	[tilespmem:s24+$0x50] =	vst v0  }
0x56: {  	[tilespmem:s24+$0x60] =	vst v0  }
0x57: {  	[tilespmem:s24+$0x70] =	vst v0  }
0x58: {  	[tilespmem:s24+$0x400] =	vst v0  }
0x59: {  	[tilespmem:s24+$0x410] =	vst v0  }
0x5a: {  	[tilespmem:s24+$0x420] =	vst v0  }
0x5b: {  	[tilespmem:s24+$0x430] =	vst v0  }
0x5c: {  	[tilespmem:s24+$0x440] =	vst v0  }
0x5d: {  	[tilespmem:s24+$0x450] =	vst v0  }
0x5e: {  	[tilespmem:s24+$0x460] =	vst v0  }
0x5f: {  	[tilespmem:s24+$0x470] =	vst v0  }
0x60: {  	[tilespmem:s24+$0x800] =	vst v0  }
0x61: {  	[tilespmem:s24+$0x810] =	vst v0  }
0x62: {  	[tilespmem:s24+$0x820] =	vst v0  }
0x63: {  	[tilespmem:s24+$0x830] =	vst v0  }
0x64: {  	[tilespmem:s24+$0x840] =	vst v0  }
0x65: {  	[tilespmem:s24+$0x850] =	vst v0  }
0x66: {  	[tilespmem:s24+$0x860] =	vst v0  }
0x67: {  	[tilespmem:s24+$0x870] =	vst v0  }
0x68: {  	[tilespmem:s24+$0xC00] =	vst v0  }
0x69: {  	[tilespmem:s24+$0xC10] =	vst v0  }
0x6a: {  	[tilespmem:s24+$0xC20] =	vst v0  }
0x6b: {  	[tilespmem:s24+$0xC30] =	vst v0  }
0x6c: {  	[tilespmem:s24+$0xC40] =	vst v0  }
0x6d: {  	[tilespmem:s24+$0xC50] =	vst v0  }
0x6e: {  	[tilespmem:s24+$0xC60] =	vst v0  }
0x6f: {  	s0 =	sld [smem:$0x7F8];
	_ =	sdelay $0x1  }
0x70: {  	s25 =	simm.s32 $0x10000  }
0x71: {  	[tilespmem:s25], [sflag:$0x3] =	stream.linear.gather [hbm4b:s0+s7], $0x80, $0x38;
	[tilespmem:$0x12200] =	vst v63  }
0x72: {  	_ =	swait.ge [sflag:s5], $0x80  }
0x73: {  	s26 =	sld [smem:$0x7F9]  }
0x74: {  	[sflag:s5] =	ssyncset.done $0x0  }
0x75: {  	s28 =	simm.s32 $0x10080;
	[sflag:s5] =	ssyncadd.s32 $0xFFFFFF80  }
0x76: {  	[tilespmem:s28], [sflag:$0x3] =	stream.linear.gather [hbm4b:s26+s7], $0x80, $0x38;
	[tilespmem:$0x12200] =	vst v63  }
0x77: {  	_ =	swait.ge [sflag:s5], $0x80  }
0x78: {  	[sflag:s5] =	ssyncset.done $0x0  }
0x79: {  	s29 =	simm.s32 $0x10090;
	[sflag:s5] =	ssyncadd.s32 $0xFFFFFF80  }
0x7a: {  	s30 =	simm.s32 $0x10010;
	v3 =	vld [tilespmem:s29+$0xFFFFFFF0]  }
0x7b: {  	v4 =	vld [tilespmem:s30+$0xFFFFFFF0]  }
0x7c: {  	v5 =	vld [tilespmem:s30+$0x0]  }
0x7d: {  	v6 =	vld [tilespmem:s29+$0x0]  }
0x7e: {  	s31 =	simm.s32 $0x100B0  }
0x7f: {  	v1 =	vld [tilespmem:s31+$0x0]  }
0x80: {  	s1 =	simm.s32 $0x10030;
	v2 =	vld [tilespmem:s31+$0xFFFFFFF0];
	v7 =	vshll.u32 v4, $0x2  }
0x81: {  	s0 =	simm.s32 $0x10110;
	v4 =	vld [tilespmem:s1+$0xFFFFFFF0];
	v5 =	vshll.u32 v5, $0x2;
	v7 =	vadd.s32 v3, v7  }
0x82: {  	s2 =	simm.s32 $0x2;
	s3 =	simm.s32 $0x100D0;
	v3 =	vld [tilespmem:s1+$0x0];
	v5 =	vadd.s32 v6, v5;
	[tilespmem:s0+$0xFFFFFFF0] =	vst v7  }
.LBB2_4:
0x83: {  	s2 =	sadd.s32 $0x2, s2  }
0x84: {  	v6 =	vld [tilespmem:s3+$0x0];
	[tilespmem:s0+$0x0] =	vst v5;
	s0 =	sadd.s32 $0x20, s0;
	p0 =	slt.u32 s2, $0x6  }
.Ltmp1:
0x85: {  	(pc) =	sbr.rel @p0 .LBB2_4-.Ltmp1, $4  }
0x86: {  	v5 =	vmov v2  }
0x87: {  	s1 =	sadd.s32 $0x20, s1;
	v2 =	vld [tilespmem:s3+$0xFFFFFFF0];
	v7 =	vshll.u32 v4, $0x2  }
0x88: {  	v4 =	vld [tilespmem:s1+$0xFFFFFFF0];
	v5 =	vadd.s32 v5, v7;
	v7 =	vshll.u32 v3, $0x2  }
0x89: {  	s3 =	sadd.s32 $0x20, s3;
	v3 =	vld [tilespmem:s1+$0x0];
	[tilespmem:s0+$0xFFFFFFF0] =	vst v5;
	v5 =	vadd.s32 v1, v7;
	v1 =	vmov v6  }
0x8a: {  	_ =	sdelay $0x2  }
0x8b: {  	v4 =	vshll.u32 v4, $0x2  }
0x8c: {  	[tilespmem:s0+$0x0] =	vst v5;
	s31 =	sadd.s32 $0x20, s0;
	v2 =	vadd.s32 v2, v4;
	v3 =	vshll.u32 v3, $0x2  }
0x8d: {  	[tilespmem:s31+$0xFFFFFFF0] =	vst v2;
	v1 =	vadd.s32 v1, v3  }
0x8e: {  	[tilespmem:s31+$0x0] =	vst v1  }
0x8f: {  	s0 =	sld [smem:$0x7FA];
	_ =	sdelay $0x1  }
0x90: {  	s1 =	simm.s32 $0x0  }
0x91: {  	[tilespmem:s1], [sflag:$0x1] =	stream.linear.gather [hbm4b:s0+s1], $0x8000, $0x38;
	[tilespmem:$0x12200] =	vst v63  }
0x92: {  	p1 =	por $0x1, $0x1;
	s0 =	simm.s32 $0x0  }
.LBB2_7:
0x93: {  	s3 =	sld [smem:$0x7FB];
	_ =	sdelay $0x1  }
0x94: {  	s1 =	simm.s32 @p1 $0x0;
	s2 =	simm.s32 @p1 $0x8000  }
0x95: {  	[tilespmem:s2], [sflag:$0x2] =	stream.linear.gather @p1 [hbm4b:s3+s1], $0x8000, $0x38;
	[tilespmem:$0x12200] =	vst v63  }
0x96: {  	s3 =	sadd.s32 $0x1, s0  }
0x97: {  	s4 =	sshll.u32 s0, $0xF;
	s5 =	sshll.u32 s0, $0x6;
	_ =	swait.ge [sflag:s3], $0x8000  }
0x98: {  	s2 =	sand.u32 $0x3FFF8000, s4;
	s0 =	sand.u32 $0x3FFFFFC0, s5;
	[sflag:s3] =	ssyncset.done $0x0  }
0x99: {  	[dreg:$0x3] =	wrdreg s2;
	s0 =	sadd.s32 $0x10102, s0;
	[sflag:s3] =	ssyncadd.s32 $0xFFFF8000  }
0x9a: {  	v1 =	vld [tilespmem:s0+$0x1]  }
0x9b: {  	v2 =	vld [tilespmem:s0+$0xFFFFFFFF]  }
0x9c: {  	v3 =	vld [tilespmem:s0+$0x0];
	_ =	sdelay $0x1  }
0x9d: {  	v4 =	vld [tilespmem:s0+$0xFFFFFFFE]  }
0x9e: {  	(v2sf) =	vpush v1, $0x0  }
0x9f: {  	(v2sf) =	vpush v2, $0x0  }
0xa0: {  	(v2sf) =	vpush v3, $0x0;
	_ =	sdelay $0x1  }
0xa1: {  	(v2sf) =	vpush v4, $0x0;
	_ =	sdelay $0x5  }
0xa2: {  	s7 =	simm.s32 $0x180  }
0xa3: {  	s8 =	simm.s32 $0x0;
	s10 =	simm.s32 $0x0;
	s12 =	simm.s32 $0x80  }
0xa4: {  	s9 =	sand.u32 $0x380, s7;
	s6 =	rddreg [dreg:$0x3];
	s3 =	sand.u32 $0x7000, s8  }
0xa5: {  	s2 =	sand.u32 $0x200, s10;
	s3 =	sadd.s32 s3, s6;
	s6 =	simm.s32 $0x100  }
0xa6: {  	s0 =	sadd.s32 $0x4, s0;
	s1 =	sadd.s32 s9, s3;
	s6 =	sand.u32 $0x300, s6  }
0xa7: {  	s25 =	sadd.s32 s2, s3;
	s26 =	sadd.s32 s6, s3;
	v1 =	vld [tilespmem:s1+$0x0];
	s4 =	spop (v2sf)  }
0xa8: {  	s11 =	sshll.u32 s4, $0x9;
	s4 =	sshll.u32 s4, $0x7;
	v2 =	vld [tilespmem:s25+$0x0];
	s5 =	spop (v2sf)  }
0xa9: {  	s2 =	sand.u32 $0xFFFFF000, s11;
	s4 =	sand.u32 $0x380, s4;
	s7 =	spop (v2sf)  }
0xaa: {  	v4 =	vld [tilespmem:s26+$0x0];
	s16 =	sshll.u32 s5, $0x9;
	s17 =	sshll.u32 s5, $0x7;
	s2 =	sor.u32 s4, s2  }
0xab: {  	v5 =	vld [tilespmem:s0+$0xFFFFFFFE];
	s4 =	sand.u32 $0x280, s12;
	s8 =	spop (v2sf);
	s18 =	sshll.u32 s7, $0x9  }
0xac: {  	s7 =	sshll.u32 s7, $0x7;
	[tilespmem:s2+$0x10200] =	vst.add.f32.msk $0xffff, v1;
	s28 =	sadd.s32 s4, s3;
	s13 =	sshll.u32 s8, $0x9  }
0xad: {  	s8 =	sshll.u32 s8, $0x7;
	s5 =	sand.u32 $0xFFFFF000, s18;
	s7 =	sand.u32 $0x380, s7;
	v1 =	vld [tilespmem:s1+$0x10]  }
0xae: {  	v3 =	vld [tilespmem:s28+$0x0];
	s14 =	sand.u32 $0xFFFFF000, s13;
	s15 =	sand.u32 $0x380, s8;
	s5 =	sor.u32 s7, s5  }
0xaf: {  	s3 =	sor.u32 s15, s14;
	[tilespmem:s5+$0x10200] =	vst.add.f32.msk $0xffff, v4  }
0xb0: {  	[tilespmem:s3+$0x10200] =	vst.add.f32.msk $0xffff, v2  }
0xb1: {  	s2 =	sadd.s32 $0x10200, s2;
	v4 =	vld [tilespmem:s26+$0x10]  }
0xb2: {  	s6 =	sand.u32 $0xFFFFF000, s16;
	s4 =	sand.u32 $0x380, s17;
	s19 =	sor.u32 $0x10, s2;
	v2 =	vld [tilespmem:s25+$0x10]  }
0xb3: {  	s4 =	sor.u32 s4, s6;
	[tilespmem:s19+$0x0] =	vst.add.f32.msk $0xffff, v1  }
0xb4: {  	[tilespmem:s4+$0x10200] =	vst.add.f32.msk $0xffff, v3  }
0xb5: {  	s19 =	sadd.s32 $0x10200, s5;
	v1 =	vld [tilespmem:s1+$0x20]  }
0xb6: {  	s29 =	sadd.s32 $0x10200, s3;
	v3 =	vld [tilespmem:s28+$0x10];
	s22 =	sor.u32 $0x10, s19  }
0xb7: {  	s3 =	sor.u32 $0x10, s29;
	[tilespmem:s22+$0x0] =	vst.add.f32.msk $0xffff, v4  }
0xb8: {  	[tilespmem:s3+$0x0] =	vst.add.f32.msk $0xffff, v2  }
0xb9: {  	v4 =	vld [tilespmem:s26+$0x20]  }
0xba: {  	s20 =	sor.u32 $0x20, s2;
	s10 =	sadd.s32 $0x10200, s4;
	v2 =	vld [tilespmem:s25+$0x20]  }
0xbb: {  	s4 =	sor.u32 $0x10, s10;
	[tilespmem:s20+$0x0] =	vst.add.f32.msk $0xffff, v1  }
0xbc: {  	[tilespmem:s4+$0x0] =	vst.add.f32.msk $0xffff, v3  }
0xbd: {  	v1 =	vld [tilespmem:s1+$0x30]  }
0xbe: {  	s31 =	sor.u32 $0x20, s19;
	v3 =	vld [tilespmem:s28+$0x20]  }
0xbf: {  	s23 =	sor.u32 $0x20, s29;
	[tilespmem:s31+$0x0] =	vst.add.f32.msk $0xffff, v4  }
0xc0: {  	[tilespmem:s23+$0x0] =	vst.add.f32.msk $0xffff, v2  }
0xc1: {  	s21 =	sor.u32 $0x30, s2;
	v4 =	vld [tilespmem:s26+$0x30]  }
0xc2: {  	[tilespmem:s21+$0x0] =	vst.add.f32.msk $0xffff, v1  }
0xc3: {  	v1 =	vld [tilespmem:s1+$0x40]  }
0xc4: {  	s30 =	sor.u32 $0x20, s10;
	v2 =	vld [tilespmem:s25+$0x30]  }
0xc5: {  	[tilespmem:s30+$0x0] =	vst.add.f32.msk $0xffff, v3  }
0xc6: {  	s8 =	sor.u32 $0x30, s19;
	v3 =	vld [tilespmem:s28+$0x30]  }
0xc7: {  	s24 =	sor.u32 $0x40, s2;
	[tilespmem:s8+$0x0] =	vst.add.f32.msk $0xffff, v4  }
0xc8: {  	[tilespmem:s24+$0x0] =	vst.add.f32.msk $0xffff, v1  }
0xc9: {  	s5 =	sor.u32 $0x30, s29;
	v1 =	vld [tilespmem:s1+$0x50]  }
0xca: {  	[tilespmem:s5+$0x0] =	vst.add.f32.msk $0xffff, v2  }
0xcb: {  	v4 =	vld [tilespmem:s26+$0x40]  }
0xcc: {  	s6 =	sor.u32 $0x30, s10;
	v2 =	vld [tilespmem:s25+$0x40]  }
0xcd: {  	s4 =	sor.u32 $0x50, s2;
	[tilespmem:s6+$0x0] =	vst.add.f32.msk $0xffff, v3  }
0xce: {  	[tilespmem:s4+$0x0] =	vst.add.f32.msk $0xffff, v1  }
0xcf: {  	v1 =	vld [tilespmem:s1+$0x60]  }
0xd0: {  	s13 =	sor.u32 $0x40, s19;
	v3 =	vld [tilespmem:s28+$0x40]  }
0xd1: {  	s9 =	sor.u32 $0x40, s29;
	[tilespmem:s13+$0x0] =	vst.add.f32.msk $0xffff, v4  }
0xd2: {  	[tilespmem:s9+$0x0] =	vst.add.f32.msk $0xffff, v2  }
0xd3: {  	s7 =	sor.u32 $0x60, s2;
	v4 =	vld [tilespmem:s26+$0x50]  }
0xd4: {  	[tilespmem:s7+$0x0] =	vst.add.f32.msk $0xffff, v1  }
0xd5: {  	v1 =	vld [tilespmem:s1+$0x70]  }
0xd6: {  	s12 =	sor.u32 $0x40, s10;
	v2 =	vld [tilespmem:s25+$0x50]  }
0xd7: {  	[tilespmem:s12+$0x0] =	vst.add.f32.msk $0xffff, v3  }
0xd8: {  	s16 =	sor.u32 $0x50, s19;
	v3 =	vld [tilespmem:s28+$0x50]  }
0xd9: {  	s11 =	sor.u32 $0x70, s2;
	[tilespmem:s16+$0x0] =	vst.add.f32.msk $0xffff, v4  }
0xda: {  	[tilespmem:s11+$0x0] =	vst.add.f32.msk $0xffff, v1  }
0xdb: {  	s14 =	sor.u32 $0x50, s29;
	v1 =	vld [tilespmem:s1+$0x400]  }
0xdc: {  	[tilespmem:s14+$0x0] =	vst.add.f32.msk $0xffff, v2  }
0xdd: {  	v4 =	vld [tilespmem:s26+$0x60]  }
0xde: {  	s15 =	sor.u32 $0x50, s10;
	v2 =	vld [tilespmem:s25+$0x60]  }
0xdf: {  	[tilespmem:s15+$0x0] =	vst.add.f32.msk $0xffff, v3  }
0xe0: {  	[tilespmem:s2+$0x400] =	vst.add.f32.msk $0xffff, v1  }
0xe1: {  	v1 =	vld [tilespmem:s1+$0x410]  }
0xe2: {  	s20 =	sor.u32 $0x60, s19;
	v3 =	vld [tilespmem:s28+$0x60]  }
0xe3: {  	s17 =	sor.u32 $0x60, s29;
	[tilespmem:s20+$0x0] =	vst.add.f32.msk $0xffff, v4  }
0xe4: {  	[tilespmem:s17+$0x0] =	vst.add.f32.msk $0xffff, v2  }
0xe5: {  	v4 =	vld [tilespmem:s26+$0x70]  }
0xe6: {  	[tilespmem:s2+$0x410] =	vst.add.f32.msk $0xffff, v1  }
0xe7: {  	v1 =	vld [tilespmem:s1+$0x420]  }
0xe8: {  	s18 =	sor.u32 $0x60, s10;
	v2 =	vld [tilespmem:s25+$0x70]  }
0xe9: {  	[tilespmem:s18+$0x0] =	vst.add.f32.msk $0xffff, v3  }
0xea: {  	s23 =	sor.u32 $0x70, s19;
	v3 =	vld [tilespmem:s28+$0x70]  }
0xeb: {  	[tilespmem:s23+$0x0] =	vst.add.f32.msk $0xffff, v4  }
0xec: {  	[tilespmem:s2+$0x420] =	vst.add.f32.msk $0xffff, v1  }
0xed: {  	s21 =	sor.u32 $0x70, s29;
	v1 =	vld [tilespmem:s1+$0x430]  }
0xee: {  	[tilespmem:s21+$0x0] =	vst.add.f32.msk $0xffff, v2  }
0xef: {  	v4 =	vld [tilespmem:s26+$0x400]  }
0xf0: {  	s22 =	sor.u32 $0x70, s10;
	v2 =	vld [tilespmem:s25+$0x400]  }
0xf1: {  	[tilespmem:s22+$0x0] =	vst.add.f32.msk $0xffff, v3  }
0xf2: {  	[tilespmem:s2+$0x430] =	vst.add.f32.msk $0xffff, v1  }
0xf3: {  	v1 =	vld [tilespmem:s1+$0x440]  }
0xf4: {  	v3 =	vld [tilespmem:s28+$0x400]  }
0xf5: {  	[tilespmem:s19+$0x400] =	vst.add.f32.msk $0xffff, v4  }
0xf6: {  	[tilespmem:s29+$0x400] =	vst.add.f32.msk $0xffff, v2  }
0xf7: {  	v4 =	vld [tilespmem:s26+$0x410]  }
0xf8: {  	[tilespmem:s2+$0x440] =	vst.add.f32.msk $0xffff, v1  }
0xf9: {  	v1 =	vld [tilespmem:s1+$0x450]  }
0xfa: {  	v2 =	vld [tilespmem:s25+$0x410]  }
0xfb: {  	[tilespmem:s10+$0x400] =	vst.add.f32.msk $0xffff, v3  }
0xfc: {  	v3 =	vld [tilespmem:s28+$0x410]  }
0xfd: {  	[tilespmem:s19+$0x410] =	vst.add.f32.msk $0xffff, v4  }
0xfe: {  	[tilespmem:s2+$0x450] =	vst.add.f32.msk $0xffff, v1  }
0xff: {  	v1 =	vld [tilespmem:s1+$0x460]  }
0x100: {  	[tilespmem:s29+$0x410] =	vst.add.f32.msk $0xffff, v2  }
0x101: {  	v4 =	vld [tilespmem:s26+$0x420]  }
0x102: {  	v2 =	vld [tilespmem:s25+$0x420]  }
0x103: {  	[tilespmem:s10+$0x410] =	vst.add.f32.msk $0xffff, v3  }
0x104: {  	[tilespmem:s2+$0x460] =	vst.add.f32.msk $0xffff, v1  }
0x105: {  	v1 =	vld [tilespmem:s1+$0x470]  }
0x106: {  	v3 =	vld [tilespmem:s28+$0x420]  }
0x107: {  	[tilespmem:s19+$0x420] =	vst.add.f32.msk $0xffff, v4  }
0x108: {  	[tilespmem:s29+$0x420] =	vst.add.f32.msk $0xffff, v2  }
0x109: {  	v4 =	vld [tilespmem:s26+$0x430]  }
0x10a: {  	[tilespmem:s2+$0x470] =	vst.add.f32.msk $0xffff, v1  }
0x10b: {  	v1 =	vld [tilespmem:s1+$0x800]  }
0x10c: {  	v2 =	vld [tilespmem:s25+$0x430]  }
0x10d: {  	[tilespmem:s10+$0x420] =	vst.add.f32.msk $0xffff, v3  }
0x10e: {  	v3 =	vld [tilespmem:s28+$0x430]  }
0x10f: {  	s24 =	sor.u32 $0x800, s2;
	[tilespmem:s19+$0x430] =	vst.add.f32.msk $0xffff, v4  }
0x110: {  	[tilespmem:s24+$0x0] =	vst.add.f32.msk $0xffff, v1  }
0x111: {  	v1 =	vld [tilespmem:s1+$0x810]  }
0x112: {  	[tilespmem:s29+$0x430] =	vst.add.f32.msk $0xffff, v2  }
0x113: {  	v4 =	vld [tilespmem:s26+$0x440]  }
0x114: {  	v2 =	vld [tilespmem:s25+$0x440]  }
0x115: {  	s30 =	sor.u32 $0x810, s2;
	[tilespmem:s10+$0x430] =	vst.add.f32.msk $0xffff, v3  }
0x116: {  	[tilespmem:s30+$0x0] =	vst.add.f32.msk $0xffff, v1  }
0x117: {  	v1 =	vld [tilespmem:s1+$0x820]  }
0x118: {  	v3 =	vld [tilespmem:s28+$0x440]  }
0x119: {  	[tilespmem:s19+$0x440] =	vst.add.f32.msk $0xffff, v4  }
0x11a: {  	[tilespmem:s29+$0x440] =	vst.add.f32.msk $0xffff, v2  }
0x11b: {  	s31 =	sor.u32 $0x820, s2;
	v4 =	vld [tilespmem:s26+$0x450]  }
0x11c: {  	[tilespmem:s31+$0x0] =	vst.add.f32.msk $0xffff, v1  }
0x11d: {  	v1 =	vld [tilespmem:s1+$0x830]  }
0x11e: {  	v2 =	vld [tilespmem:s25+$0x450]  }
0x11f: {  	[tilespmem:s10+$0x440] =	vst.add.f32.msk $0xffff, v3  }
0x120: {  	v3 =	vld [tilespmem:s28+$0x450]  }
0x121: {  	s4 =	sor.u32 $0x830, s2;
	[tilespmem:s19+$0x450] =	vst.add.f32.msk $0xffff, v4  }
0x122: {  	[tilespmem:s4+$0x0] =	vst.add.f32.msk $0xffff, v1  }
0x123: {  	v1 =	vld [tilespmem:s1+$0x840]  }
0x124: {  	[tilespmem:s29+$0x450] =	vst.add.f32.msk $0xffff, v2  }
0x125: {  	v4 =	vld [tilespmem:s26+$0x460]  }
0x126: {  	v2 =	vld [tilespmem:s25+$0x460]  }
0x127: {  	s5 =	sor.u32 $0x840, s2;
	[tilespmem:s10+$0x450] =	vst.add.f32.msk $0xffff, v3  }
0x128: {  	[tilespmem:s5+$0x0] =	vst.add.f32.msk $0xffff, v1  }
0x129: {  	v1 =	vld [tilespmem:s1+$0x850]  }
0x12a: {  	v3 =	vld [tilespmem:s28+$0x460]  }
0x12b: {  	[tilespmem:s19+$0x460] =	vst.add.f32.msk $0xffff, v4  }
0x12c: {  	[tilespmem:s29+$0x460] =	vst.add.f32.msk $0xffff, v2  }
0x12d: {  	s6 =	sor.u32 $0x850, s2;
	v4 =	vld [tilespmem:s26+$0x470]  }
0x12e: {  	[tilespmem:s6+$0x0] =	vst.add.f32.msk $0xffff, v1  }
0x12f: {  	v1 =	vld [tilespmem:s1+$0x860]  }
0x130: {  	v2 =	vld [tilespmem:s25+$0x470]  }
0x131: {  	[tilespmem:s10+$0x460] =	vst.add.f32.msk $0xffff, v3  }
0x132: {  	v3 =	vld [tilespmem:s28+$0x470]  }
0x133: {  	s7 =	sor.u32 $0x860, s2;
	[tilespmem:s19+$0x470] =	vst.add.f32.msk $0xffff, v4  }
0x134: {  	[tilespmem:s7+$0x0] =	vst.add.f32.msk $0xffff, v1  }
0x135: {  	v1 =	vld [tilespmem:s1+$0x870]  }
0x136: {  	[tilespmem:s29+$0x470] =	vst.add.f32.msk $0xffff, v2  }
0x137: {  	v4 =	vld [tilespmem:s26+$0x800]  }
0x138: {  	v2 =	vld [tilespmem:s25+$0x800]  }
0x139: {  	s8 =	sor.u32 $0x870, s2;
	[tilespmem:s10+$0x470] =	vst.add.f32.msk $0xffff, v3  }
0x13a: {  	[tilespmem:s8+$0x0] =	vst.add.f32.msk $0xffff, v1  }
0x13b: {  	v1 =	vld [tilespmem:s1+$0xC00]  }
0x13c: {  	s12 =	sor.u32 $0x800, s19;
	v3 =	vld [tilespmem:s28+$0x800]  }
0x13d: {  	s9 =	sor.u32 $0x800, s29;
	[tilespmem:s12+$0x0] =	vst.add.f32.msk $0xffff, v4  }
0x13e: {  	[tilespmem:s9+$0x0] =	vst.add.f32.msk $0xffff, v2  }
0x13f: {  	v4 =	vld [tilespmem:s26+$0x810]  }
0x140: {  	[tilespmem:s2+$0xC00] =	vst.add.f32.msk $0xffff, v1  }
0x141: {  	v1 =	vld [tilespmem:s1+$0xC10]  }
0x142: {  	s11 =	sor.u32 $0x800, s10;
	v2 =	vld [tilespmem:s25+$0x810]  }
0x143: {  	[tilespmem:s11+$0x0] =	vst.add.f32.msk $0xffff, v3  }
0x144: {  	s15 =	sor.u32 $0x810, s19;
	v3 =	vld [tilespmem:s28+$0x810]  }
0x145: {  	[tilespmem:s15+$0x0] =	vst.add.f32.msk $0xffff, v4  }
0x146: {  	[tilespmem:s2+$0xC10] =	vst.add.f32.msk $0xffff, v1  }
0x147: {  	s13 =	sor.u32 $0x810, s29;
	v1 =	vld [tilespmem:s1+$0xC20]  }
0x148: {  	[tilespmem:s13+$0x0] =	vst.add.f32.msk $0xffff, v2  }
0x149: {  	v4 =	vld [tilespmem:s26+$0x820]  }
0x14a: {  	s14 =	sor.u32 $0x810, s10;
	v2 =	vld [tilespmem:s25+$0x820]  }
0x14b: {  	[tilespmem:s14+$0x0] =	vst.add.f32.msk $0xffff, v3  }
0x14c: {  	[tilespmem:s2+$0xC20] =	vst.add.f32.msk $0xffff, v1  }
0x14d: {  	v1 =	vld [tilespmem:s1+$0xC30]  }
0x14e: {  	s18 =	sor.u32 $0x820, s19;
	v3 =	vld [tilespmem:s28+$0x820]  }
0x14f: {  	s16 =	sor.u32 $0x820, s29;
	[tilespmem:s18+$0x0] =	vst.add.f32.msk $0xffff, v4  }
0x150: {  	[tilespmem:s16+$0x0] =	vst.add.f32.msk $0xffff, v2  }
0x151: {  	v4 =	vld [tilespmem:s26+$0x830]  }
0x152: {  	[tilespmem:s2+$0xC30] =	vst.add.f32.msk $0xffff, v1  }
0x153: {  	v1 =	vld [tilespmem:s1+$0xC40]  }
0x154: {  	s17 =	sor.u32 $0x820, s10;
	v2 =	vld [tilespmem:s25+$0x830]  }
0x155: {  	[tilespmem:s17+$0x0] =	vst.add.f32.msk $0xffff, v3  }
0x156: {  	s22 =	sor.u32 $0x830, s19;
	v3 =	vld [tilespmem:s28+$0x830]  }
0x157: {  	[tilespmem:s22+$0x0] =	vst.add.f32.msk $0xffff, v4  }
0x158: {  	[tilespmem:s2+$0xC40] =	vst.add.f32.msk $0xffff, v1  }
0x159: {  	s20 =	sor.u32 $0x830, s29;
	v1 =	vld [tilespmem:s1+$0xC50]  }
0x15a: {  	[tilespmem:s20+$0x0] =	vst.add.f32.msk $0xffff, v2  }
0x15b: {  	v4 =	vld [tilespmem:s26+$0x840]  }
0x15c: {  	s21 =	sor.u32 $0x830, s10;
	v2 =	vld [tilespmem:s25+$0x840]  }
0x15d: {  	[tilespmem:s21+$0x0] =	vst.add.f32.msk $0xffff, v3  }
0x15e: {  	[tilespmem:s2+$0xC50] =	vst.add.f32.msk $0xffff, v1  }
0x15f: {  	v1 =	vld [tilespmem:s1+$0xC60]  }
0x160: {  	s30 =	sor.u32 $0x840, s19;
	v3 =	vld [tilespmem:s28+$0x840]  }
0x161: {  	s23 =	sor.u32 $0x840, s29;
	[tilespmem:s30+$0x0] =	vst.add.f32.msk $0xffff, v4  }
0x162: {  	[tilespmem:s23+$0x0] =	vst.add.f32.msk $0xffff, v2  }
0x163: {  	v2 =	vld [tilespmem:s0+$0x1]  }
0x164: {  	[tilespmem:s2+$0xC60] =	vst.add.f32.msk $0xffff, v1  }
0x165: {  	v1 =	vld [tilespmem:s1+$0xC70]  }
0x166: {  	s24 =	sor.u32 $0x840, s10;
	v4 =	vld [tilespmem:s0+$0x0]  }
0x167: {  	[tilespmem:s24+$0x0] =	vst.add.f32.msk $0xffff, v3  }
0x168: {  	v3 =	vld [tilespmem:s28+$0x850];
	(v2sf) =	vpush v2, $0x0  }
0x169: {  	v2 =	vld [tilespmem:s0+$0xFFFFFFFF]  }
0x16a: {  	[tilespmem:s2+$0xC70] =	vst.add.f32.msk $0xffff, v1  }
0x16b: {  	v1 =	vld [tilespmem:s25+$0x850];
	_ =	sdelay $0x1  }
0x16c: {  	v6 =	vld [tilespmem:s26+$0x850];
	s2 =	sor.u32 $0x850, s10  }
0x16d: {  	(v2sf) =	vpush v2, $0x0;
	[tilespmem:s2+$0x0] =	vst.add.f32.msk $0xffff, v3  }
0x16e: {  	s31 =	sor.u32 $0x850, s29;
	(v2sf) =	vpush v4, $0x0;
	v2 =	vld [tilespmem:s28+$0x860]  }
0x16f: {  	(v2sf) =	vpush v5, $0x0;
	[tilespmem:s31+$0x0] =	vst.add.f32.msk $0xffff, v1  }
0x170: {  	s3 =	sor.u32 $0x850, s19;
	s11 =	simm.s32 $0x800;
	v1 =	vld [tilespmem:s25+$0x860]  }
0x171: {  	s12 =	simm.s32 $0x380;
	s4 =	rddreg [dreg:$0x3];
	s6 =	sand.u32 $0x7000, s11;
	[tilespmem:s3+$0x0] =	vst.add.f32.msk $0xffff, v6  }
0x172: {  	s9 =	sand.u32 $0x380, s12;
	s7 =	sor.u32 $0x860, s10;
	s8 =	sadd.s32 s6, s4;
	v3 =	vld [tilespmem:s26+$0x860]  }
0x173: {  	s1 =	sadd.s32 s9, s8;
	[tilespmem:s7+$0x0] =	vst.add.f32.msk $0xffff, v2  }
0x174: {  	s5 =	sor.u32 $0x860, s29;
	v2 =	vld [tilespmem:s1+$0x0]  }
0x175: {  	[tilespmem:s5+$0x0] =	vst.add.f32.msk $0xffff, v1  }
0x176: {  	s13 =	sor.u32 $0x860, s19;
	s14 =	spop (v2sf);
	v1 =	vld [tilespmem:s25+$0x870]  }
0x177: {  	s15 =	sshll.u32 s14, $0x9;
	s2 =	sshll.u32 s14, $0x7;
	[tilespmem:s13+$0x0] =	vst.add.f32.msk $0xffff, v3  }
0x178: {  	s3 =	sand.u32 $0xFFFFF000, s15;
	s2 =	sand.u32 $0x380, s2;
	v4 =	vld [tilespmem:s26+$0x870]  }
0x179: {  	s2 =	sor.u32 s2, s3;
	v3 =	vld [tilespmem:s28+$0x870]  }
0x17a: {  	s16 =	sor.u32 $0x870, s29;
	[tilespmem:s2+$0x10200] =	vst.add.f32.msk $0xffff, v2  }
0x17b: {  	s18 =	simm.s32 $0x200;
	s17 =	sor.u32 $0x870, s10;
	[tilespmem:s16+$0x0] =	vst.add.f32.msk $0xffff, v1  }
0x17c: {  	s20 =	sor.u32 $0x870, s19;
	s23 =	spop (v2sf);
	s5 =	sand.u32 $0x200, s18;
	v1 =	vld [tilespmem:s1+$0x10]  }
0x17d: {  	s21 =	simm.s32 $0x280;
	s24 =	spop (v2sf);
	s13 =	sadd.s32 s5, s8;
	[tilespmem:s20+$0x0] =	vst.add.f32.msk $0xffff, v4  }
0x17e: {  	s22 =	simm.s32 $0x300;
	s30 =	spop (v2sf);
	s7 =	sand.u32 $0x280, s21;
	v2 =	vld [tilespmem:s13+$0x0]  }
0x17f: {  	s6 =	sshll.u32 s30, $0x7;
	s14 =	sadd.s32 s7, s8;
	s2 =	sadd.s32 $0x10200, s2;
	[tilespmem:s17+$0x0] =	vst.add.f32.msk $0xffff, v3  }
0x180: {  	s3 =	sand.u32 $0x300, s22;
	s31 =	sshll.u32 s30, $0x9;
	v3 =	vld [tilespmem:s14+$0x0];
	s9 =	sor.u32 $0x10, s2  }
0x181: {  	s15 =	sadd.s32 s3, s8;
	s4 =	sand.u32 $0xFFFFF000, s31;
	s7 =	sand.u32 $0x380, s6;
	[tilespmem:s9+$0x0] =	vst.add.f32.msk $0xffff, v1  }
0x182: {  	s3 =	sor.u32 s7, s4;
	s5 =	sshll.u32 s23, $0x7;
	s9 =	sshll.u32 s23, $0x9;
	v1 =	vld [tilespmem:s15+$0x0]  }
0x183: {  	s5 =	sand.u32 $0x380, s5;
	[tilespmem:s3+$0x10200] =	vst.add.f32.msk $0xffff, v2;
	s4 =	sand.u32 $0xFFFFF000, s9  }
0x184: {  	s17 =	sshll.u32 s24, $0x7;
	s16 =	sshll.u32 s24, $0x9;
	v2 =	vld [tilespmem:s1+$0x20];
	s4 =	sor.u32 s5, s4  }
0x185: {  	s6 =	sand.u32 $0x380, s17;
	s5 =	sand.u32 $0xFFFFF000, s16;
	[tilespmem:s4+$0x10200] =	vst.add.f32.msk $0xffff, v3  }
0x186: {  	s5 =	sor.u32 s6, s5;
	v3 =	vld [tilespmem:s13+$0x10]  }
0x187: {  	[tilespmem:s5+$0x10200] =	vst.add.f32.msk $0xffff, v1  }
0x188: {  	s18 =	sor.u32 $0x20, s2;
	v1 =	vld [tilespmem:s14+$0x10]  }
0x189: {  	s7 =	sadd.s32 $0x10200, s3;
	[tilespmem:s18+$0x0] =	vst.add.f32.msk $0xffff, v2  }
0x18a: {  	s3 =	sor.u32 $0x10, s7;
	v2 =	vld [tilespmem:s1+$0x30]  }
0x18b: {  	s24 =	sadd.s32 $0x10200, s4;
	[tilespmem:s3+$0x0] =	vst.add.f32.msk $0xffff, v3  }
0x18c: {  	s20 =	sor.u32 $0x10, s24;
	v3 =	vld [tilespmem:s15+$0x10]  }
0x18d: {  	[tilespmem:s20+$0x0] =	vst.add.f32.msk $0xffff, v1  }
0x18e: {  	s21 =	sor.u32 $0x30, s2;
	v1 =	vld [tilespmem:s13+$0x20]  }
0x18f: {  	s23 =	sadd.s32 $0x10200, s5;
	[tilespmem:s21+$0x0] =	vst.add.f32.msk $0xffff, v2  }
0x190: {  	s22 =	sor.u32 $0x10, s23;
	v2 =	vld [tilespmem:s1+$0x40]  }
0x191: {  	[tilespmem:s22+$0x0] =	vst.add.f32.msk $0xffff, v3  }
0x192: {  	v3 =	vld [tilespmem:s14+$0x20]  }
0x193: {  	s30 =	sor.u32 $0x20, s7;
	v4 =	vld [tilespmem:s15+$0x20]  }
0x194: {  	s31 =	sor.u32 $0x40, s2;
	[tilespmem:s30+$0x0] =	vst.add.f32.msk $0xffff, v1  }
0x195: {  	[tilespmem:s31+$0x0] =	vst.add.f32.msk $0xffff, v2  }
0x196: {  	v2 =	vld [tilespmem:s13+$0x30]  }
0x197: {  	v6 =	vld [tilespmem:s28+$0xC00];
	s4 =	sor.u32 $0x20, s24  }
0x198: {  	s5 =	sor.u32 $0x20, s23;
	[tilespmem:s4+$0x0] =	vst.add.f32.msk $0xffff, v3  }
0x199: {  	[tilespmem:s5+$0x0] =	vst.add.f32.msk $0xffff, v4  }
0x19a: {  	s8 =	sor.u32 $0x30, s7;
	v3 =	vld [tilespmem:s14+$0x30]  }
0x19b: {  	[tilespmem:s8+$0x0] =	vst.add.f32.msk $0xffff, v2  }
0x19c: {  	v2 =	vld [tilespmem:s15+$0x30]  }
0x19d: {  	[tilespmem:s10+$0xC00] =	vst.add.f32.msk $0xffff, v6  }
0x19e: {  	s9 =	sor.u32 $0x30, s24;
	v1 =	vld [tilespmem:s1+$0x50]  }
0x19f: {  	[tilespmem:s9+$0x0] =	vst.add.f32.msk $0xffff, v3  }
0x1a0: {  	s17 =	sor.u32 $0x30, s23;
	v3 =	vld [tilespmem:s13+$0x40]  }
0x1a1: {  	[tilespmem:s17+$0x0] =	vst.add.f32.msk $0xffff, v2  }
0x1a2: {  	s6 =	sor.u32 $0x50, s2;
	v2 =	vld [tilespmem:s14+$0x40]  }
0x1a3: {  	[tilespmem:s6+$0x0] =	vst.add.f32.msk $0xffff, v1  }
0x1a4: {  	v1 =	vld [tilespmem:s1+$0x60]  }
0x1a5: {  	s18 =	sor.u32 $0x40, s7;
	v4 =	vld [tilespmem:s15+$0x40]  }
0x1a6: {  	s21 =	sor.u32 $0x40, s24;
	[tilespmem:s18+$0x0] =	vst.add.f32.msk $0xffff, v3  }
0x1a7: {  	[tilespmem:s21+$0x0] =	vst.add.f32.msk $0xffff, v2  }
0x1a8: {  	s16 =	sor.u32 $0x60, s2;
	v2 =	vld [tilespmem:s13+$0x50]  }
0x1a9: {  	[tilespmem:s16+$0x0] =	vst.add.f32.msk $0xffff, v1  }
0x1aa: {  	s22 =	sor.u32 $0x40, s23;
	v1 =	vld [tilespmem:s1+$0x70]  }
0x1ab: {  	[tilespmem:s22+$0x0] =	vst.add.f32.msk $0xffff, v4  }
0x1ac: {  	s30 =	sor.u32 $0x50, s7;
	v3 =	vld [tilespmem:s14+$0x50]  }
0x1ad: {  	[tilespmem:s30+$0x0] =	vst.add.f32.msk $0xffff, v2  }
0x1ae: {  	s20 =	sor.u32 $0x70, s2;
	v2 =	vld [tilespmem:s15+$0x50]  }
0x1af: {  	[tilespmem:s20+$0x0] =	vst.add.f32.msk $0xffff, v1  }
0x1b0: {  	s31 =	sor.u32 $0x50, s24;
	v1 =	vld [tilespmem:s1+$0x400]  }
0x1b1: {  	[tilespmem:s31+$0x0] =	vst.add.f32.msk $0xffff, v3  }
0x1b2: {  	s4 =	sor.u32 $0x50, s23;
	v3 =	vld [tilespmem:s13+$0x60]  }
0x1b3: {  	[tilespmem:s4+$0x0] =	vst.add.f32.msk $0xffff, v2  }
0x1b4: {  	v2 =	vld [tilespmem:s14+$0x60]  }
0x1b5: {  	[tilespmem:s2+$0x400] =	vst.add.f32.msk $0xffff, v1  }
0x1b6: {  	v1 =	vld [tilespmem:s1+$0x410]  }
0x1b7: {  	s5 =	sor.u32 $0x60, s7;
	v4 =	vld [tilespmem:s15+$0x60]  }
0x1b8: {  	s6 =	sor.u32 $0x60, s24;
	[tilespmem:s5+$0x0] =	vst.add.f32.msk $0xffff, v3  }
0x1b9: {  	[tilespmem:s6+$0x0] =	vst.add.f32.msk $0xffff, v2  }
0x1ba: {  	v2 =	vld [tilespmem:s13+$0x70]  }
0x1bb: {  	[tilespmem:s2+$0x410] =	vst.add.f32.msk $0xffff, v1  }
0x1bc: {  	v1 =	vld [tilespmem:s1+$0x420]  }
0x1bd: {  	s8 =	sor.u32 $0x60, s23;
	v3 =	vld [tilespmem:s14+$0x70]  }
0x1be: {  	s9 =	sor.u32 $0x70, s7;
	[tilespmem:s8+$0x0] =	vst.add.f32.msk $0xffff, v4  }
0x1bf: {  	[tilespmem:s9+$0x0] =	vst.add.f32.msk $0xffff, v2  }
0x1c0: {  	v2 =	vld [tilespmem:s15+$0x70]  }
0x1c1: {  	s16 =	sor.u32 $0x70, s24;
	[tilespmem:s2+$0x420] =	vst.add.f32.msk $0xffff, v1  }
0x1c2: {  	[tilespmem:s16+$0x0] =	vst.add.f32.msk $0xffff, v3  }
0x1c3: {  	v3 =	vld [tilespmem:s13+$0x400]  }
0x1c4: {  	s17 =	sor.u32 $0x70, s23;
	v1 =	vld [tilespmem:s1+$0x430]  }
0x1c5: {  	[tilespmem:s17+$0x0] =	vst.add.f32.msk $0xffff, v2  }
0x1c6: {  	v2 =	vld [tilespmem:s14+$0x400]  }
0x1c7: {  	v4 =	vld [tilespmem:s15+$0x400]  }
0x1c8: {  	[tilespmem:s7+$0x400] =	vst.add.f32.msk $0xffff, v3  }
0x1c9: {  	[tilespmem:s2+$0x430] =	vst.add.f32.msk $0xffff, v1  }
0x1ca: {  	v1 =	vld [tilespmem:s1+$0x440]  }
0x1cb: {  	[tilespmem:s24+$0x400] =	vst.add.f32.msk $0xffff, v2  }
0x1cc: {  	v2 =	vld [tilespmem:s13+$0x410]  }
0x1cd: {  	[tilespmem:s23+$0x400] =	vst.add.f32.msk $0xffff, v4  }
0x1ce: {  	v3 =	vld [tilespmem:s14+$0x410]  }
0x1cf: {  	v4 =	vld [tilespmem:s15+$0x410]  }
0x1d0: {  	[tilespmem:s2+$0x440] =	vst.add.f32.msk $0xffff, v1  }
0x1d1: {  	v1 =	vld [tilespmem:s1+$0x450]  }
0x1d2: {  	[tilespmem:s7+$0x410] =	vst.add.f32.msk $0xffff, v2  }
0x1d3: {  	[tilespmem:s24+$0x410] =	vst.add.f32.msk $0xffff, v3  }
0x1d4: {  	v2 =	vld [tilespmem:s13+$0x420]  }
0x1d5: {  	[tilespmem:s23+$0x410] =	vst.add.f32.msk $0xffff, v4  }
0x1d6: {  	v3 =	vld [tilespmem:s14+$0x420]  }
0x1d7: {  	v4 =	vld [tilespmem:s15+$0x420]  }
0x1d8: {  	[tilespmem:s2+$0x450] =	vst.add.f32.msk $0xffff, v1  }
0x1d9: {  	v1 =	vld [tilespmem:s1+$0x460]  }
0x1da: {  	[tilespmem:s7+$0x420] =	vst.add.f32.msk $0xffff, v2  }
0x1db: {  	[tilespmem:s24+$0x420] =	vst.add.f32.msk $0xffff, v3  }
0x1dc: {  	v2 =	vld [tilespmem:s13+$0x430]  }
0x1dd: {  	[tilespmem:s23+$0x420] =	vst.add.f32.msk $0xffff, v4  }
0x1de: {  	v3 =	vld [tilespmem:s14+$0x430]  }
0x1df: {  	v4 =	vld [tilespmem:s15+$0x430]  }
0x1e0: {  	[tilespmem:s2+$0x460] =	vst.add.f32.msk $0xffff, v1  }
0x1e1: {  	v1 =	vld [tilespmem:s1+$0x470]  }
0x1e2: {  	[tilespmem:s7+$0x430] =	vst.add.f32.msk $0xffff, v2  }
0x1e3: {  	[tilespmem:s24+$0x430] =	vst.add.f32.msk $0xffff, v3  }
0x1e4: {  	v2 =	vld [tilespmem:s13+$0x440]  }
0x1e5: {  	[tilespmem:s23+$0x430] =	vst.add.f32.msk $0xffff, v4  }
0x1e6: {  	v3 =	vld [tilespmem:s14+$0x440]  }
0x1e7: {  	v4 =	vld [tilespmem:s15+$0x440]  }
0x1e8: {  	[tilespmem:s2+$0x470] =	vst.add.f32.msk $0xffff, v1  }
0x1e9: {  	v1 =	vld [tilespmem:s1+$0x800]  }
0x1ea: {  	[tilespmem:s7+$0x440] =	vst.add.f32.msk $0xffff, v2  }
0x1eb: {  	[tilespmem:s24+$0x440] =	vst.add.f32.msk $0xffff, v3  }
0x1ec: {  	v2 =	vld [tilespmem:s13+$0x450]  }
0x1ed: {  	[tilespmem:s23+$0x440] =	vst.add.f32.msk $0xffff, v4  }
0x1ee: {  	v3 =	vld [tilespmem:s14+$0x450]  }
0x1ef: {  	s18 =	sor.u32 $0x800, s2;
	v4 =	vld [tilespmem:s15+$0x450]  }
0x1f0: {  	[tilespmem:s18+$0x0] =	vst.add.f32.msk $0xffff, v1  }
0x1f1: {  	v1 =	vld [tilespmem:s1+$0x810]  }
0x1f2: {  	[tilespmem:s7+$0x450] =	vst.add.f32.msk $0xffff, v2  }
0x1f3: {  	[tilespmem:s24+$0x450] =	vst.add.f32.msk $0xffff, v3  }
0x1f4: {  	v2 =	vld [tilespmem:s13+$0x460]  }
0x1f5: {  	[tilespmem:s23+$0x450] =	vst.add.f32.msk $0xffff, v4  }
0x1f6: {  	v3 =	vld [tilespmem:s14+$0x460]  }
0x1f7: {  	s20 =	sor.u32 $0x810, s2;
	v4 =	vld [tilespmem:s15+$0x460]  }
0x1f8: {  	[tilespmem:s20+$0x0] =	vst.add.f32.msk $0xffff, v1  }
0x1f9: {  	v1 =	vld [tilespmem:s1+$0x820]  }
0x1fa: {  	[tilespmem:s7+$0x460] =	vst.add.f32.msk $0xffff, v2  }
0x1fb: {  	[tilespmem:s24+$0x460] =	vst.add.f32.msk $0xffff, v3  }
0x1fc: {  	v2 =	vld [tilespmem:s13+$0x470]  }
0x1fd: {  	[tilespmem:s23+$0x460] =	vst.add.f32.msk $0xffff, v4  }
0x1fe: {  	v3 =	vld [tilespmem:s14+$0x470]  }
0x1ff: {  	s21 =	sor.u32 $0x820, s2;
	v4 =	vld [tilespmem:s15+$0x470]  }
0x200: {  	[tilespmem:s21+$0x0] =	vst.add.f32.msk $0xffff, v1  }
0x201: {  	v1 =	vld [tilespmem:s1+$0x830]  }
0x202: {  	[tilespmem:s7+$0x470] =	vst.add.f32.msk $0xffff, v2  }
0x203: {  	[tilespmem:s24+$0x470] =	vst.add.f32.msk $0xffff, v3  }
0x204: {  	v2 =	vld [tilespmem:s13+$0x800]  }
0x205: {  	[tilespmem:s23+$0x470] =	vst.add.f32.msk $0xffff, v4  }
0x206: {  	v3 =	vld [tilespmem:s14+$0x800]  }
0x207: {  	s22 =	sor.u32 $0x830, s2;
	v4 =	vld [tilespmem:s15+$0x800]  }
0x208: {  	[tilespmem:s22+$0x0] =	vst.add.f32.msk $0xffff, v1  }
0x209: {  	s6 =	sor.u32 $0x800, s7;
	v1 =	vld [tilespmem:s1+$0x840]  }
0x20a: {  	s8 =	sor.u32 $0x800, s24;
	[tilespmem:s6+$0x0] =	vst.add.f32.msk $0xffff, v2  }
0x20b: {  	[tilespmem:s8+$0x0] =	vst.add.f32.msk $0xffff, v3  }
0x20c: {  	s9 =	sor.u32 $0x800, s23;
	v2 =	vld [tilespmem:s13+$0x810]  }
0x20d: {  	[tilespmem:s9+$0x0] =	vst.add.f32.msk $0xffff, v4  }
0x20e: {  	s30 =	sor.u32 $0x840, s2;
	v3 =	vld [tilespmem:s14+$0x810]  }
0x20f: {  	[tilespmem:s30+$0x0] =	vst.add.f32.msk $0xffff, v1  }
0x210: {  	s16 =	sor.u32 $0x810, s7;
	v1 =	vld [tilespmem:s1+$0x850]  }
0x211: {  	[tilespmem:s16+$0x0] =	vst.add.f32.msk $0xffff, v2  }
0x212: {  	s17 =	sor.u32 $0x810, s24;
	v2 =	vld [tilespmem:s15+$0x810]  }
0x213: {  	[tilespmem:s17+$0x0] =	vst.add.f32.msk $0xffff, v3  }
0x214: {  	s31 =	sor.u32 $0x850, s2;
	v3 =	vld [tilespmem:s13+$0x820]  }
0x215: {  	[tilespmem:s31+$0x0] =	vst.add.f32.msk $0xffff, v1  }
0x216: {  	s18 =	sor.u32 $0x810, s23;
	v1 =	vld [tilespmem:s1+$0x860]  }
0x217: {  	[tilespmem:s18+$0x0] =	vst.add.f32.msk $0xffff, v2  }
0x218: {  	v2 =	vld [tilespmem:s14+$0x820]  }
0x219: {  	s20 =	sor.u32 $0x820, s7;
	v4 =	vld [tilespmem:s15+$0x820]  }
0x21a: {  	[tilespmem:s20+$0x0] =	vst.add.f32.msk $0xffff, v3  }
0x21b: {  	s4 =	sor.u32 $0x860, s2;
	v3 =	vld [tilespmem:s13+$0x830]  }
0x21c: {  	s21 =	sor.u32 $0x820, s24;
	[tilespmem:s4+$0x0] =	vst.add.f32.msk $0xffff, v1  }
0x21d: {  	[tilespmem:s21+$0x0] =	vst.add.f32.msk $0xffff, v2  }
0x21e: {  	v1 =	vld [tilespmem:s1+$0x870]  }
0x21f: {  	s22 =	sor.u32 $0x820, s23;
	v2 =	vld [tilespmem:s14+$0x830]  }
0x220: {  	[tilespmem:s22+$0x0] =	vst.add.f32.msk $0xffff, v4  }
0x221: {  	s30 =	sor.u32 $0x830, s7;
	v4 =	vld [tilespmem:s15+$0x830]  }
0x222: {  	[tilespmem:s30+$0x0] =	vst.add.f32.msk $0xffff, v3  }
0x223: {  	s5 =	sor.u32 $0x870, s2;
	v3 =	vld [tilespmem:s13+$0x840]  }
0x224: {  	s31 =	sor.u32 $0x830, s24;
	[tilespmem:s5+$0x0] =	vst.add.f32.msk $0xffff, v1  }
0x225: {  	[tilespmem:s31+$0x0] =	vst.add.f32.msk $0xffff, v2  }
0x226: {  	v1 =	vld [tilespmem:s1+$0xC00]  }
0x227: {  	s4 =	sor.u32 $0x830, s23;
	v2 =	vld [tilespmem:s14+$0x840]  }
0x228: {  	[tilespmem:s4+$0x0] =	vst.add.f32.msk $0xffff, v4  }
0x229: {  	s5 =	sor.u32 $0x840, s7;
	v4 =	vld [tilespmem:s15+$0x840]  }
0x22a: {  	[tilespmem:s5+$0x0] =	vst.add.f32.msk $0xffff, v3  }
0x22b: {  	v3 =	vld [tilespmem:s13+$0x850]  }
0x22c: {  	s6 =	sor.u32 $0x840, s24;
	[tilespmem:s2+$0xC00] =	vst.add.f32.msk $0xffff, v1  }
0x22d: {  	[tilespmem:s6+$0x0] =	vst.add.f32.msk $0xffff, v2  }
0x22e: {  	s8 =	sor.u32 $0x840, s23;
	v1 =	vld [tilespmem:s1+$0xC10]  }
0x22f: {  	[tilespmem:s8+$0x0] =	vst.add.f32.msk $0xffff, v4  }
0x230: {  	s9 =	sor.u32 $0x850, s7;
	v2 =	vld [tilespmem:s14+$0x850]  }
0x231: {  	[tilespmem:s9+$0x0] =	vst.add.f32.msk $0xffff, v3  }
0x232: {  	v3 =	vld [tilespmem:s15+$0x850]  }
0x233: {  	v4 =	vld [tilespmem:s13+$0x860]  }
0x234: {  	s16 =	sor.u32 $0x850, s24;
	[tilespmem:s2+$0xC10] =	vst.add.f32.msk $0xffff, v1  }
0x235: {  	[tilespmem:s16+$0x0] =	vst.add.f32.msk $0xffff, v2  }
0x236: {  	s17 =	sor.u32 $0x850, s23;
	v2 =	vld [tilespmem:s25+$0xC00]  }
0x237: {  	[tilespmem:s17+$0x0] =	vst.add.f32.msk $0xffff, v3  }
0x238: {  	v3 =	vld [tilespmem:s14+$0x860]  }
0x239: {  	s18 =	sor.u32 $0x860, s7;
	v1 =	vld [tilespmem:s1+$0xC20]  }
0x23a: {  	[tilespmem:s18+$0x0] =	vst.add.f32.msk $0xffff, v4  }
0x23b: {  	v4 =	vld [tilespmem:s15+$0x860]  }
0x23c: {  	s20 =	sor.u32 $0x860, s24;
	[tilespmem:s29+$0xC00] =	vst.add.f32.msk $0xffff, v2  }
0x23d: {  	[tilespmem:s20+$0x0] =	vst.add.f32.msk $0xffff, v3  }
0x23e: {  	v2 =	vld [tilespmem:s25+$0xC10]  }
0x23f: {  	v3 =	vld [tilespmem:s28+$0xC10]  }
0x240: {  	v5 =	vld [tilespmem:s13+$0x870]  }
0x241: {  	[tilespmem:s2+$0xC20] =	vst.add.f32.msk $0xffff, v1  }
0x242: {  	v1 =	vld [tilespmem:s1+$0xC30]  }
0x243: {  	[tilespmem:s29+$0xC10] =	vst.add.f32.msk $0xffff, v2  }
0x244: {  	[tilespmem:s10+$0xC10] =	vst.add.f32.msk $0xffff, v3  }
0x245: {  	v2 =	vld [tilespmem:s25+$0xC20]  }
0x246: {  	s21 =	sor.u32 $0x860, s23;
	v3 =	vld [tilespmem:s28+$0xC20]  }
0x247: {  	[tilespmem:s21+$0x0] =	vst.add.f32.msk $0xffff, v4  }
0x248: {  	[tilespmem:s2+$0xC30] =	vst.add.f32.msk $0xffff, v1  }
0x249: {  	v1 =	vld [tilespmem:s1+$0xC40]  }
0x24a: {  	[tilespmem:s29+$0xC20] =	vst.add.f32.msk $0xffff, v2  }
0x24b: {  	[tilespmem:s10+$0xC20] =	vst.add.f32.msk $0xffff, v3  }
0x24c: {  	v2 =	vld [tilespmem:s25+$0xC30]  }
0x24d: {  	s22 =	sor.u32 $0x870, s7;
	v3 =	vld [tilespmem:s28+$0xC30]  }
0x24e: {  	[tilespmem:s22+$0x0] =	vst.add.f32.msk $0xffff, v5  }
0x24f: {  	[tilespmem:s2+$0xC40] =	vst.add.f32.msk $0xffff, v1  }
0x250: {  	v1 =	vld [tilespmem:s1+$0xC50]  }
0x251: {  	[tilespmem:s29+$0xC30] =	vst.add.f32.msk $0xffff, v2  }
0x252: {  	[tilespmem:s10+$0xC30] =	vst.add.f32.msk $0xffff, v3  }
0x253: {  	v2 =	vld [tilespmem:s25+$0xC40]  }
0x254: {  	v3 =	vld [tilespmem:s28+$0xC40]  }
0x255: {  	v4 =	vld [tilespmem:s15+$0x870]  }
0x256: {  	[tilespmem:s2+$0xC50] =	vst.add.f32.msk $0xffff, v1  }
0x257: {  	v1 =	vld [tilespmem:s1+$0xC60]  }
0x258: {  	[tilespmem:s29+$0xC40] =	vst.add.f32.msk $0xffff, v2  }
0x259: {  	[tilespmem:s10+$0xC40] =	vst.add.f32.msk $0xffff, v3  }
0x25a: {  	v2 =	vld [tilespmem:s25+$0xC50]  }
0x25b: {  	v3 =	vld [tilespmem:s28+$0xC50]  }
0x25c: {  	[tilespmem:s2+$0xC60] =	vst.add.f32.msk $0xffff, v1  }
0x25d: {  	s31 =	sor.u32 $0x870, s23;
	v1 =	vld [tilespmem:s1+$0xC70]  }
0x25e: {  	[tilespmem:s31+$0x0] =	vst.add.f32.msk $0xffff, v4  }
0x25f: {  	[tilespmem:s29+$0xC50] =	vst.add.f32.msk $0xffff, v2  }
0x260: {  	[tilespmem:s10+$0xC50] =	vst.add.f32.msk $0xffff, v3  }
0x261: {  	v3 =	vld [tilespmem:s14+$0x870]  }
0x262: {  	[tilespmem:s2+$0xC70] =	vst.add.f32.msk $0xffff, v1  }
0x263: {  	v1 =	vld [tilespmem:s26+$0xC00]  }
0x264: {  	v2 =	vld [tilespmem:s25+$0xC60]  }
0x265: {  	s30 =	sor.u32 $0x870, s24;
	v5 =	vld [tilespmem:s28+$0xC60]  }
0x266: {  	[tilespmem:s30+$0x0] =	vst.add.f32.msk $0xffff, v3  }
0x267: {  	v3 =	vld [tilespmem:s13+$0xC00]  }
0x268: {  	[tilespmem:s19+$0xC00] =	vst.add.f32.msk $0xffff, v1  }
0x269: {  	[tilespmem:s29+$0xC60] =	vst.add.f32.msk $0xffff, v2  }
0x26a: {  	[tilespmem:s10+$0xC60] =	vst.add.f32.msk $0xffff, v5  }
0x26b: {  	v4 =	vld [tilespmem:s14+$0xC00]  }
0x26c: {  	v1 =	vld [tilespmem:s26+$0xC10]  }
0x26d: {  	v5 =	vld [tilespmem:s15+$0xC00]  }
0x26e: {  	v6 =	vld [tilespmem:s25+$0xC70]  }
0x26f: {  	[tilespmem:s7+$0xC00] =	vst.add.f32.msk $0xffff, v3  }
0x270: {  	v3 =	vld [tilespmem:s13+$0xC10]  }
0x271: {  	[tilespmem:s19+$0xC10] =	vst.add.f32.msk $0xffff, v1  }
0x272: {  	v1 =	vld [tilespmem:s26+$0xC20]  }
0x273: {  	[tilespmem:s24+$0xC00] =	vst.add.f32.msk $0xffff, v4  }
0x274: {  	[tilespmem:s23+$0xC00] =	vst.add.f32.msk $0xffff, v5  }
0x275: {  	v4 =	vld [tilespmem:s14+$0xC10]  }
0x276: {  	v5 =	vld [tilespmem:s15+$0xC10]  }
0x277: {  	[tilespmem:s19+$0xC20] =	vst.add.f32.msk $0xffff, v1  }
0x278: {  	v1 =	vld [tilespmem:s26+$0xC30]  }
0x279: {  	[tilespmem:s29+$0xC70] =	vst.add.f32.msk $0xffff, v6  }
0x27a: {  	[tilespmem:s7+$0xC10] =	vst.add.f32.msk $0xffff, v3  }
0x27b: {  	v3 =	vld [tilespmem:s13+$0xC20]  }
0x27c: {  	[tilespmem:s24+$0xC10] =	vst.add.f32.msk $0xffff, v4  }
0x27d: {  	[tilespmem:s19+$0xC30] =	vst.add.f32.msk $0xffff, v1  }
0x27e: {  	v1 =	vld [tilespmem:s26+$0xC40]  }
0x27f: {  	[tilespmem:s23+$0xC10] =	vst.add.f32.msk $0xffff, v5  }
0x280: {  	v4 =	vld [tilespmem:s14+$0xC20]  }
0x281: {  	v5 =	vld [tilespmem:s15+$0xC20]  }
0x282: {  	[tilespmem:s7+$0xC20] =	vst.add.f32.msk $0xffff, v3  }
0x283: {  	[tilespmem:s19+$0xC40] =	vst.add.f32.msk $0xffff, v1  }
0x284: {  	v1 =	vld [tilespmem:s26+$0xC50]  }
0x285: {  	v3 =	vld [tilespmem:s13+$0xC30]  }
0x286: {  	[tilespmem:s24+$0xC20] =	vst.add.f32.msk $0xffff, v4  }
0x287: {  	[tilespmem:s23+$0xC20] =	vst.add.f32.msk $0xffff, v5  }
0x288: {  	v5 =	vld [tilespmem:s14+$0xC30]  }
0x289: {  	[tilespmem:s19+$0xC50] =	vst.add.f32.msk $0xffff, v1  }
0x28a: {  	v2 =	vld [tilespmem:s26+$0xC60]  }
0x28b: {  	v4 =	vld [tilespmem:s15+$0xC30]  }
0x28c: {  	[tilespmem:s7+$0xC30] =	vst.add.f32.msk $0xffff, v3  }
0x28d: {  	v3 =	vld [tilespmem:s13+$0xC40]  }
0x28e: {  	v1 =	vld [tilespmem:s28+$0xC70]  }
0x28f: {  	[tilespmem:s19+$0xC60] =	vst.add.f32.msk $0xffff, v2  }
0x290: {  	p0 =	por p1, p1;
	s1 =	simm.s32 $0x4;
	v2 =	vld [tilespmem:s26+$0xC70];
	s26 =	sadd.s32 $0x4, s0  }
.LBB2_8:
0x291: {  	v6 =	vld [tilespmem:s26+$0x1]  }
0x292: {  	v7 =	vld [tilespmem:s26+$0xFFFFFFFF]  }
0x293: {  	v8 =	vld [tilespmem:s26+$0x0]  }
0x294: {  	v9 =	vld [tilespmem:s26+$0xFFFFFFFE]  }
0x295: {  	[tilespmem:s24+$0xC30] =	vst.add.f32.msk $0xffff, v5  }
0x296: {  	[tilespmem:s23+$0xC30] =	vst.add.f32.msk $0xffff, v4  }
0x297: {  	[tilespmem:s7+$0xC40] =	vst.add.f32.msk $0xffff, v3  }
0x298: {  	(v2sf) =	vpush v6, $0x0;
	v4 =	vld [tilespmem:s14+$0xC40]  }
0x299: {  	v5 =	vld [tilespmem:s15+$0xC40]  }
0x29a: {  	v3 =	vld [tilespmem:s13+$0xC50]  }
0x29b: {  	(v2sf) =	vpush v7, $0x0  }
0x29c: {  	s2 =	smov.u32 s13;
	[tilespmem:s10+$0xC70] =	vst.add.f32.msk $0xffff, v1;
	s13 =	smov.u32 s24;
	(v2sf) =	vpush v8, $0x0  }
0x29d: {  	(v2sf) =	vpush v9, $0x0;
	[tilespmem:s13+$0xC40] =	vst.add.f32.msk $0xffff, v4  }
0x29e: {  	[tilespmem:s23+$0xC40] =	vst.add.f32.msk $0xffff, v5  }
0x29f: {  	[tilespmem:s7+$0xC50] =	vst.add.f32.msk $0xffff, v3  }
0x2a0: {  	s11 =	sadd.s32 $0x800, s11;
	v1 =	vld [tilespmem:s14+$0xC50]  }
0x2a1: {  	s0 =	rddreg [dreg:$0x3];
	s12 =	sadd.s32 $0x200, s12;
	s21 =	sand.u32 $0x7000, s11;
	v4 =	vld [tilespmem:s15+$0xC50]  }
0x2a2: {  	s1 =	sadd.s32 $0x4, s1;
	s0 =	sadd.s32 s21, s0;
	s24 =	sand.u32 $0x380, s12;
	v3 =	vld [tilespmem:s2+$0xC60]  }
0x2a3: {  	[dreg:$0x4] =	wrdreg s1;
	p1 =	slt.u32 s1, $0x3C;
	s1 =	sadd.s32 s24, s0;
	[tilespmem:s19+$0xC70] =	vst.add.f32.msk $0xffff, v2  }
0x2a4: {  	s22 =	sadd.s32 $0xFFFFFE80, s12;
	v2 =	vld [tilespmem:s1+$0x0]  }
0x2a5: {  	[dreg:$0x5] =	wrdreg s2;
	s3 =	sadd.s32 $0xFFFFFF00, s12;
	s2 =	sand.u32 $0x200, s22;
	[tilespmem:s13+$0xC50] =	vst.add.f32.msk $0xffff, v1  }
0x2a6: {  	s3 =	sand.u32 $0x280, s3;
	s30 =	sadd.s32 s2, s0;
	[tilespmem:s23+$0xC50] =	vst.add.f32.msk $0xffff, v4  }
0x2a7: {  	s4 =	sadd.s32 $0xFFFFFF80, s12;
	s29 =	sadd.s32 s3, s0;
	v4 =	vld [tilespmem:s30+$0x0];
	s25 =	spop (v2sf)  }
0x2a8: {  	s4 =	sand.u32 $0x300, s4;
	v5 =	vld [tilespmem:s29+$0x0];
	s28 =	sshll.u32 s25, $0x9;
	s2 =	sshll.u32 s25, $0x7  }
0x2a9: {  	v1 =	vld [tilespmem:s14+$0xC60];
	s3 =	sand.u32 $0xFFFFF000, s28;
	s2 =	sand.u32 $0x380, s2;
	s28 =	sadd.s32 s4, s0  }
0x2aa: {  	s5 =	spop (v2sf);
	s31 =	sor.u32 s2, s3;
	v7 =	vld [tilespmem:s28+$0x0]  }
0x2ab: {  	s6 =	spop (v2sf);
	s10 =	sshll.u32 s5, $0x9;
	s5 =	sshll.u32 s5, $0x7;
	[tilespmem:s31+$0x10200] =	vst.add.f32.msk $0xffff, v2  }
0x2ac: {  	s8 =	spop (v2sf);
	s4 =	sand.u32 $0xFFFFF000, s10;
	s5 =	sand.u32 $0x380, s5;
	v2 =	vld [tilespmem:s15+$0xC60]  }
0x2ad: {  	s9 =	sshll.u32 s8, $0x9;
	s2 =	sshll.u32 s8, $0x7;
	s8 =	smov.u32 s7;
	v6 =	vld [tilespmem:s1+$0x10]  }
0x2ae: {  	[dreg:$0x8] =	wrdreg s14;
	s14 =	sshll.u32 s6, $0x9;
	s4 =	sor.u32 s5, s4;
	[tilespmem:s8+$0xC60] =	vst.add.f32.msk $0xffff, v3  }
0x2af: {  	s6 =	sshll.u32 s6, $0x7;
	s3 =	sand.u32 $0xFFFFF000, s9;
	s2 =	sand.u32 $0x380, s2;
	[tilespmem:s4+$0x10200] =	vst.add.f32.msk $0xffff, v5  }
0x2b0: {  	s7 =	sand.u32 $0xFFFFF000, s14;
	s6 =	sand.u32 $0x380, s6;
	s2 =	sor.u32 s2, s3;
	v5 =	vld [tilespmem:s29+$0x10]  }
0x2b1: {  	[dreg:$0x7] =	wrdreg s15;
	s15 =	sor.u32 s6, s7;
	[tilespmem:s2+$0x10200] =	vst.add.f32.msk $0xffff, v4  }
0x2b2: {  	s0 =	sadd.s32 $0x10200, s31;
	[tilespmem:s15+$0x10200] =	vst.add.f32.msk $0xffff, v7  }
0x2b3: {  	s16 =	sor.u32 $0x10, s0;
	v4 =	vld [tilespmem:s30+$0x10]  }
0x2b4: {  	[tilespmem:s16+$0x0] =	vst.add.f32.msk $0xffff, v6  }
0x2b5: {  	s24 =	sadd.s32 $0x10200, s4;
	v6 =	vld [tilespmem:s28+$0x10]  }
0x2b6: {  	s25 =	sor.u32 $0x10, s24;
	v3 =	vld [tilespmem:s1+$0x20]  }
0x2b7: {  	s31 =	sadd.s32 $0x10200, s2;
	[tilespmem:s25+$0x0] =	vst.add.f32.msk $0xffff, v5  }
0x2b8: {  	s20 =	sor.u32 $0x10, s31;
	v5 =	vld [tilespmem:s29+$0x20]  }
0x2b9: {  	[dreg:$0x6] =	wrdreg s8;
	s8 =	sadd.s32 $0x10200, s15;
	[tilespmem:s20+$0x0] =	vst.add.f32.msk $0xffff, v4  }
0x2ba: {  	s19 =	sor.u32 $0x10, s8;
	v4 =	vld [tilespmem:s30+$0x20]  }
0x2bb: {  	s10 =	sor.u32 $0x20, s0;
	[tilespmem:s19+$0x0] =	vst.add.f32.msk $0xffff, v6  }
0x2bc: {  	[tilespmem:s10+$0x0] =	vst.add.f32.msk $0xffff, v3  }
0x2bd: {  	v6 =	vld [tilespmem:s28+$0x20]  }
0x2be: {  	s18 =	sor.u32 $0x20, s24;
	v3 =	vld [tilespmem:s1+$0x30]  }
0x2bf: {  	[tilespmem:s18+$0x0] =	vst.add.f32.msk $0xffff, v5  }
0x2c0: {  	s21 =	sor.u32 $0x20, s31;
	v5 =	vld [tilespmem:s29+$0x30]  }
0x2c1: {  	[tilespmem:s21+$0x0] =	vst.add.f32.msk $0xffff, v4  }
0x2c2: {  	s17 =	sor.u32 $0x60, s24;
	s22 =	sor.u32 $0x20, s8;
	v4 =	vld [tilespmem:s30+$0x30]  }
0x2c3: {  	[smem:$0x7F3] =	sst s17;
	s17 =	sor.u32 $0x60, s8;
	s20 =	sor.u32 $0x30, s0;
	[tilespmem:s22+$0x0] =	vst.add.f32.msk $0xffff, v6  }
0x2c4: {  	[smem:$0x7F4] =	sst s17;
	s17 =	sor.u32 $0x70, s31;
	[tilespmem:s20+$0x0] =	vst.add.f32.msk $0xffff, v3  }
0x2c5: {  	[smem:$0x7F5] =	sst s17;
	s17 =	sor.u32 $0x70, s24;
	v3 =	vld [tilespmem:s1+$0x40]  }
0x2c6: {  	s7 =	sor.u32 $0x30, s24;
	[smem:$0x7F6] =	sst s17;
	s17 =	sor.u32 $0x70, s8;
	v6 =	vld [tilespmem:s28+$0x30]  }
0x2c7: {  	[dreg:$0x1f] =	wrdreg s17;
	s17 =	sor.u32 $0x800, s31;
	[tilespmem:s7+$0x0] =	vst.add.f32.msk $0xffff, v5  }
0x2c8: {  	s3 =	sor.u32 $0x30, s31;
	s25 =	sor.u32 $0x830, s31;
	[dreg:$0x1e] =	wrdreg s17;
	v5 =	vld [tilespmem:s29+$0x40]  }
0x2c9: {  	s17 =	sor.u32 $0x800, s24;
	[dreg:$0x15] =	wrdreg s25;
	s21 =	sor.u32 $0x40, s0;
	[tilespmem:s3+$0x0] =	vst.add.f32.msk $0xffff, v4  }
0x2ca: {  	s25 =	sor.u32 $0x840, s8;
	[dreg:$0x1c] =	wrdreg s17;
	[tilespmem:s21+$0x0] =	vst.add.f32.msk $0xffff, v3  }
0x2cb: {  	s4 =	sor.u32 $0x40, s24;
	s17 =	sor.u32 $0x800, s8;
	[dreg:$0x11] =	wrdreg s25;
	v3 =	vld [tilespmem:s1+$0x50]  }
0x2cc: {  	s5 =	sor.u32 $0x30, s8;
	s25 =	sor.u32 $0x850, s8;
	[dreg:$0x1d] =	wrdreg s17;
	v4 =	vld [tilespmem:s30+$0x40]  }
0x2cd: {  	s2 =	sor.u32 $0x40, s8;
	s17 =	sor.u32 $0x810, s24;
	[dreg:$0xf] =	wrdreg s25;
	[tilespmem:s5+$0x0] =	vst.add.f32.msk $0xffff, v6  }
0x2ce: {  	s14 =	sor.u32 $0x50, s8;
	[dreg:$0x1a] =	wrdreg s17;
	s17 =	sor.u32 $0x820, s31;
	v6 =	vld [tilespmem:s28+$0x40]  }
0x2cf: {  	s10 =	sor.u32 $0x810, s31;
	[dreg:$0x18] =	wrdreg s17;
	s22 =	sor.u32 $0x50, s0;
	[tilespmem:s4+$0x0] =	vst.add.f32.msk $0xffff, v5  }
0x2d0: {  	s9 =	sor.u32 $0x40, s31;
	s17 =	sor.u32 $0x820, s8;
	[dreg:$0x1b] =	wrdreg s10;
	[tilespmem:s22+$0x0] =	vst.add.f32.msk $0xffff, v3  }
0x2d1: {  	s25 =	sor.u32 $0x870, s8;
	[dreg:$0x16] =	wrdreg s17;
	s17 =	sor.u32 $0x840, s31;
	v3 =	vld [tilespmem:s1+$0x60]  }
0x2d2: {  	s19 =	smov.u32 s23;
	[dreg:$0x12] =	wrdreg s17;
	s17 =	sor.u32 $0x830, s8;
	v5 =	vld [tilespmem:s29+$0x50]  }
0x2d3: {  	s23 =	smov.u32 s8;
	[dreg:$0x13] =	wrdreg s17;
	s17 =	sor.u32 $0x850, s24;
	[tilespmem:s9+$0x0] =	vst.add.f32.msk $0xffff, v4  }
0x2d4: {  	s10 =	sor.u32 $0x810, s8;
	[dreg:$0xd] =	wrdreg s17;
	s17 =	sor.u32 $0x860, s24;
	v4 =	vld [tilespmem:s30+$0x50]  }
0x2d5: {  	[dreg:$0xa] =	wrdreg s17;
	s17 =	sor.u32 $0x860, s8;
	s8 =	sor.u32 $0x60, s0;
	[tilespmem:s2+$0x0] =	vst.add.f32.msk $0xffff, v6  }
0x2d6: {  	[tilespmem:s8+$0x0] =	vst.add.f32.msk $0xffff, v3  }
0x2d7: {  	[dreg:$0x19] =	wrdreg s10;
	s10 =	sor.u32 $0x820, s24;
	v3 =	vld [tilespmem:s1+$0x70]  }
0x2d8: {  	s6 =	sor.u32 $0x50, s24;
	[dreg:$0x17] =	wrdreg s10;
	s10 =	sor.u32 $0x830, s24;
	v6 =	vld [tilespmem:s28+$0x50]  }
0x2d9: {  	[dreg:$0x14] =	wrdreg s10;
	s10 =	sor.u32 $0x840, s24;
	[tilespmem:s6+$0x0] =	vst.add.f32.msk $0xffff, v5  }
0x2da: {  	s15 =	sor.u32 $0x50, s31;
	[dreg:$0x10] =	wrdreg s10;
	s10 =	sor.u32 $0x850, s31;
	v5 =	vld [tilespmem:s29+$0x60]  }
0x2db: {  	[dreg:$0xe] =	wrdreg s10;
	s10 =	sor.u32 $0x860, s31;
	s9 =	sor.u32 $0x70, s0;
	[tilespmem:s15+$0x0] =	vst.add.f32.msk $0xffff, v4  }
0x2dc: {  	[dreg:$0xb] =	wrdreg s10;
	s10 =	sor.u32 $0x870, s31;
	[tilespmem:s9+$0x0] =	vst.add.f32.msk $0xffff, v3  }
0x2dd: {  	[dreg:$0x9] =	wrdreg s10;
	v3 =	vld [tilespmem:s1+$0x400]  }
0x2de: {  	s10 =	sld [smem:$0x7F3];
	v4 =	vld [tilespmem:s30+$0x60]  }
0x2df: {  	[tilespmem:s14+$0x0] =	vst.add.f32.msk $0xffff, v6  }
0x2e0: {  	v6 =	vld [tilespmem:s28+$0x60]  }
0x2e1: {  	[tilespmem:s10+$0x0] =	vst.add.f32.msk $0xffff, v5  }
0x2e2: {  	[tilespmem:s0+$0x400] =	vst.add.f32.msk $0xffff, v3  }
0x2e3: {  	v3 =	vld [tilespmem:s1+$0x410]  }
0x2e4: {  	s16 =	sor.u32 $0x60, s31;
	s14 =	sld [smem:$0x7F4];
	v5 =	vld [tilespmem:s29+$0x70]  }
0x2e5: {  	[tilespmem:s16+$0x0] =	vst.add.f32.msk $0xffff, v4  }
0x2e6: {  	v4 =	vld [tilespmem:s30+$0x70]  }
0x2e7: {  	[tilespmem:s14+$0x0] =	vst.add.f32.msk $0xffff, v6  }
0x2e8: {  	s16 =	sld [smem:$0x7F6];
	[tilespmem:s0+$0x410] =	vst.add.f32.msk $0xffff, v3  }
0x2e9: {  	v3 =	vld [tilespmem:s1+$0x420]  }
0x2ea: {  	s15 =	sld [smem:$0x7F5];
	v6 =	vld [tilespmem:s28+$0x70]  }
0x2eb: {  	[tilespmem:s16+$0x0] =	vst.add.f32.msk $0xffff, v5  }
0x2ec: {  	v5 =	vld [tilespmem:s29+$0x400]  }
0x2ed: {  	[tilespmem:s15+$0x0] =	vst.add.f32.msk $0xffff, v4  }
0x2ee: {  	[tilespmem:s0+$0x420] =	vst.add.f32.msk $0xffff, v3  }
0x2ef: {  	[dreg:$0xc] =	wrdreg s17;
	v3 =	vld [tilespmem:s1+$0x430]  }
0x2f0: {  	s17 =	rddreg [dreg:$0x1f];
	v4 =	vld [tilespmem:s30+$0x400]  }
0x2f1: {  	[tilespmem:s17+$0x0] =	vst.add.f32.msk $0xffff, v6  }
0x2f2: {  	v6 =	vld [tilespmem:s28+$0x400]  }
0x2f3: {  	[tilespmem:s24+$0x400] =	vst.add.f32.msk $0xffff, v5  }
0x2f4: {  	[tilespmem:s0+$0x430] =	vst.add.f32.msk $0xffff, v3  }
0x2f5: {  	v3 =	vld [tilespmem:s1+$0x440]  }
0x2f6: {  	v5 =	vld [tilespmem:s29+$0x410]  }
0x2f7: {  	[tilespmem:s31+$0x400] =	vst.add.f32.msk $0xffff, v4  }
0x2f8: {  	v4 =	vld [tilespmem:s30+$0x410]  }
0x2f9: {  	[tilespmem:s23+$0x400] =	vst.add.f32.msk $0xffff, v6  }
0x2fa: {  	[tilespmem:s0+$0x440] =	vst.add.f32.msk $0xffff, v3  }
0x2fb: {  	v3 =	vld [tilespmem:s1+$0x450]  }
0x2fc: {  	v6 =	vld [tilespmem:s28+$0x410]  }
0x2fd: {  	[tilespmem:s24+$0x410] =	vst.add.f32.msk $0xffff, v5  }
0x2fe: {  	v5 =	vld [tilespmem:s29+$0x420]  }
0x2ff: {  	[tilespmem:s31+$0x410] =	vst.add.f32.msk $0xffff, v4  }
0x300: {  	[tilespmem:s0+$0x450] =	vst.add.f32.msk $0xffff, v3  }
0x301: {  	v3 =	vld [tilespmem:s1+$0x460]  }
0x302: {  	v4 =	vld [tilespmem:s30+$0x420]  }
0x303: {  	[tilespmem:s23+$0x410] =	vst.add.f32.msk $0xffff, v6  }
0x304: {  	v6 =	vld [tilespmem:s28+$0x420]  }
0x305: {  	[tilespmem:s24+$0x420] =	vst.add.f32.msk $0xffff, v5  }
0x306: {  	[tilespmem:s0+$0x460] =	vst.add.f32.msk $0xffff, v3  }
0x307: {  	v3 =	vld [tilespmem:s1+$0x470]  }
0x308: {  	v5 =	vld [tilespmem:s29+$0x430]  }
0x309: {  	[tilespmem:s31+$0x420] =	vst.add.f32.msk $0xffff, v4  }
0x30a: {  	v4 =	vld [tilespmem:s30+$0x430]  }
0x30b: {  	[tilespmem:s23+$0x420] =	vst.add.f32.msk $0xffff, v6  }
0x30c: {  	[tilespmem:s0+$0x470] =	vst.add.f32.msk $0xffff, v3  }
0x30d: {  	v3 =	vld [tilespmem:s1+$0x800]  }
0x30e: {  	v6 =	vld [tilespmem:s28+$0x430]  }
0x30f: {  	[tilespmem:s24+$0x430] =	vst.add.f32.msk $0xffff, v5  }
0x310: {  	v5 =	vld [tilespmem:s29+$0x440]  }
0x311: {  	s18 =	sor.u32 $0x800, s0;
	[tilespmem:s31+$0x430] =	vst.add.f32.msk $0xffff, v4  }
0x312: {  	[tilespmem:s18+$0x0] =	vst.add.f32.msk $0xffff, v3  }
0x313: {  	v3 =	vld [tilespmem:s1+$0x810]  }
0x314: {  	v4 =	vld [tilespmem:s30+$0x440]  }
0x315: {  	[tilespmem:s23+$0x430] =	vst.add.f32.msk $0xffff, v6  }
0x316: {  	v6 =	vld [tilespmem:s28+$0x440]  }
0x317: {  	s21 =	sor.u32 $0x810, s0;
	[tilespmem:s24+$0x440] =	vst.add.f32.msk $0xffff, v5  }
0x318: {  	[tilespmem:s21+$0x0] =	vst.add.f32.msk $0xffff, v3  }
0x319: {  	v3 =	vld [tilespmem:s1+$0x820]  }
0x31a: {  	v5 =	vld [tilespmem:s29+$0x450]  }
0x31b: {  	[tilespmem:s31+$0x440] =	vst.add.f32.msk $0xffff, v4  }
0x31c: {  	v4 =	vld [tilespmem:s30+$0x450]  }
0x31d: {  	s22 =	sor.u32 $0x820, s0;
	[tilespmem:s23+$0x440] =	vst.add.f32.msk $0xffff, v6  }
0x31e: {  	[tilespmem:s22+$0x0] =	vst.add.f32.msk $0xffff, v3  }
0x31f: {  	v3 =	vld [tilespmem:s1+$0x830]  }
0x320: {  	v6 =	vld [tilespmem:s28+$0x450]  }
0x321: {  	[tilespmem:s24+$0x450] =	vst.add.f32.msk $0xffff, v5  }
0x322: {  	v5 =	vld [tilespmem:s29+$0x460]  }
0x323: {  	s3 =	sor.u32 $0x830, s0;
	[tilespmem:s31+$0x450] =	vst.add.f32.msk $0xffff, v4  }
0x324: {  	[tilespmem:s3+$0x0] =	vst.add.f32.msk $0xffff, v3  }
0x325: {  	v3 =	vld [tilespmem:s1+$0x840]  }
0x326: {  	v4 =	vld [tilespmem:s30+$0x460]  }
0x327: {  	[tilespmem:s23+$0x450] =	vst.add.f32.msk $0xffff, v6  }
0x328: {  	v6 =	vld [tilespmem:s28+$0x460]  }
0x329: {  	s4 =	sor.u32 $0x840, s0;
	[tilespmem:s24+$0x460] =	vst.add.f32.msk $0xffff, v5  }
0x32a: {  	[tilespmem:s4+$0x0] =	vst.add.f32.msk $0xffff, v3  }
0x32b: {  	v3 =	vld [tilespmem:s1+$0x850]  }
0x32c: {  	v5 =	vld [tilespmem:s29+$0x470]  }
0x32d: {  	[tilespmem:s31+$0x460] =	vst.add.f32.msk $0xffff, v4  }
0x32e: {  	v4 =	vld [tilespmem:s30+$0x470]  }
0x32f: {  	s5 =	sor.u32 $0x850, s0;
	[tilespmem:s23+$0x460] =	vst.add.f32.msk $0xffff, v6  }
0x330: {  	[tilespmem:s5+$0x0] =	vst.add.f32.msk $0xffff, v3  }
0x331: {  	v3 =	vld [tilespmem:s1+$0x860]  }
0x332: {  	v6 =	vld [tilespmem:s28+$0x470]  }
0x333: {  	[tilespmem:s24+$0x470] =	vst.add.f32.msk $0xffff, v5  }
0x334: {  	v5 =	vld [tilespmem:s29+$0x800]  }
0x335: {  	s6 =	sor.u32 $0x860, s0;
	[tilespmem:s31+$0x470] =	vst.add.f32.msk $0xffff, v4  }
0x336: {  	[tilespmem:s6+$0x0] =	vst.add.f32.msk $0xffff, v3  }
0x337: {  	v3 =	vld [tilespmem:s1+$0x870]  }
0x338: {  	v4 =	vld [tilespmem:s30+$0x800]  }
0x339: {  	[tilespmem:s23+$0x470] =	vst.add.f32.msk $0xffff, v6  }
0x33a: {  	s9 =	rddreg [dreg:$0x1c];
	v6 =	vld [tilespmem:s28+$0x800]  }
0x33b: {  	s7 =	sor.u32 $0x870, s0;
	[tilespmem:s9+$0x0] =	vst.add.f32.msk $0xffff, v5  }
0x33c: {  	[tilespmem:s7+$0x0] =	vst.add.f32.msk $0xffff, v3  }
0x33d: {  	v3 =	vld [tilespmem:s1+$0xC00]  }
0x33e: {  	s8 =	rddreg [dreg:$0x1e];
	v5 =	vld [tilespmem:s29+$0x810]  }
0x33f: {  	[tilespmem:s8+$0x0] =	vst.add.f32.msk $0xffff, v4  }
0x340: {  	s14 =	rddreg [dreg:$0x1d];
	v4 =	vld [tilespmem:s30+$0x810]  }
0x341: {  	[tilespmem:s14+$0x0] =	vst.add.f32.msk $0xffff, v6  }
0x342: {  	[tilespmem:s0+$0xC00] =	vst.add.f32.msk $0xffff, v3  }
0x343: {  	v3 =	vld [tilespmem:s1+$0xC10]  }
0x344: {  	s16 =	rddreg [dreg:$0x1a];
	v6 =	vld [tilespmem:s28+$0x810]  }
0x345: {  	[tilespmem:s16+$0x0] =	vst.add.f32.msk $0xffff, v5  }
0x346: {  	s15 =	rddreg [dreg:$0x1b];
	v5 =	vld [tilespmem:s29+$0x820]  }
0x347: {  	[tilespmem:s15+$0x0] =	vst.add.f32.msk $0xffff, v4  }
0x348: {  	[tilespmem:s0+$0xC10] =	vst.add.f32.msk $0xffff, v3  }
0x349: {  	v3 =	vld [tilespmem:s1+$0xC20]  }
0x34a: {  	s17 =	rddreg [dreg:$0x19];
	v4 =	vld [tilespmem:s30+$0x820]  }
0x34b: {  	[tilespmem:s17+$0x0] =	vst.add.f32.msk $0xffff, v6  }
0x34c: {  	s21 =	rddreg [dreg:$0x17];
	v6 =	vld [tilespmem:s28+$0x820]  }
0x34d: {  	[tilespmem:s21+$0x0] =	vst.add.f32.msk $0xffff, v5  }
0x34e: {  	[tilespmem:s0+$0xC20] =	vst.add.f32.msk $0xffff, v3  }
0x34f: {  	v3 =	vld [tilespmem:s1+$0xC30]  }
0x350: {  	s18 =	rddreg [dreg:$0x18];
	v5 =	vld [tilespmem:s29+$0x830]  }
0x351: {  	[tilespmem:s18+$0x0] =	vst.add.f32.msk $0xffff, v4  }
0x352: {  	s22 =	rddreg [dreg:$0x16];
	v4 =	vld [tilespmem:s30+$0x830]  }
0x353: {  	[tilespmem:s22+$0x0] =	vst.add.f32.msk $0xffff, v6  }
0x354: {  	[tilespmem:s0+$0xC30] =	vst.add.f32.msk $0xffff, v3  }
0x355: {  	v3 =	vld [tilespmem:s1+$0xC40]  }
0x356: {  	v6 =	vld [tilespmem:s28+$0x830];
	s3 =	rddreg [dreg:$0x15]  }
0x357: {  	[tilespmem:s3+$0x0] =	vst.add.f32.msk $0xffff, v4  }
0x358: {  	v4 =	vld [tilespmem:s30+$0x840];
	s4 =	rddreg [dreg:$0x14]  }
0x359: {  	[tilespmem:s4+$0x0] =	vst.add.f32.msk $0xffff, v5  }
0x35a: {  	[tilespmem:s0+$0xC40] =	vst.add.f32.msk $0xffff, v3  }
0x35b: {  	s5 =	rddreg [dreg:$0x13];
	v3 =	vld [tilespmem:s1+$0xC50]  }
0x35c: {  	[tilespmem:s5+$0x0] =	vst.add.f32.msk $0xffff, v6  }
0x35d: {  	v6 =	vld [tilespmem:s28+$0x840]  }
0x35e: {  	v5 =	vld [tilespmem:s29+$0x840];
	s6 =	rddreg [dreg:$0x12]  }
0x35f: {  	[tilespmem:s6+$0x0] =	vst.add.f32.msk $0xffff, v4  }
0x360: {  	[tilespmem:s0+$0xC50] =	vst.add.f32.msk $0xffff, v3  }
0x361: {  	s8 =	rddreg [dreg:$0x11];
	v3 =	vld [tilespmem:s1+$0xC60]  }
0x362: {  	[tilespmem:s8+$0x0] =	vst.add.f32.msk $0xffff, v6;
	s7 =	rddreg [dreg:$0x10]  }
0x363: {  	[tilespmem:s7+$0x0] =	vst.add.f32.msk $0xffff, v5  }
0x364: {  	v5 =	vld [tilespmem:s28+$0x850]  }
0x365: {  	v4 =	vld [tilespmem:s29+$0x850]  }
0x366: {  	[tilespmem:s0+$0xC60] =	vst.add.f32.msk $0xffff, v3  }
0x367: {  	v3 =	vld [tilespmem:s1+$0xC70]  }
0x368: {  	s15 =	rddreg [dreg:$0xf];
	[tilespmem:s13+$0xC60] =	vst.add.f32.msk $0xffff, v1  }
0x369: {  	s14 =	rddreg [dreg:$0xd];
	[tilespmem:s15+$0x0] =	vst.add.f32.msk $0xffff, v5  }
0x36a: {  	[tilespmem:s14+$0x0] =	vst.add.f32.msk $0xffff, v4  }
0x36b: {  	v4 =	vld [tilespmem:s28+$0x860]  }
0x36c: {  	[tilespmem:s0+$0xC70] =	vst.add.f32.msk $0xffff, v3  }
0x36d: {  	v3 =	vld [tilespmem:s30+$0x850]  }
0x36e: {  	[tilespmem:s19+$0xC60] =	vst.add.f32.msk $0xffff, v2  }
0x36f: {  	s18 =	rddreg [dreg:$0xc];
	v1 =	vld [tilespmem:s29+$0x860]  }
0x370: {  	[tilespmem:s18+$0x0] =	vst.add.f32.msk $0xffff, v4  }
0x371: {  	s9 =	rddreg [dreg:$0xe];
	v2 =	vld [tilespmem:s28+$0x870]  }
0x372: {  	[tilespmem:s9+$0x0] =	vst.add.f32.msk $0xffff, v3  }
0x373: {  	s17 =	rddreg [dreg:$0xa];
	v3 =	vld [tilespmem:s30+$0x860]  }
0x374: {  	[tilespmem:s17+$0x0] =	vst.add.f32.msk $0xffff, v1  }
0x375: {  	v1 =	vld [tilespmem:s29+$0x870];
	_ =	sdelay $0x1  }
0x376: {  	s16 =	rddreg [dreg:$0xb];
	[tilespmem:s25+$0x0] =	vst.add.f32.msk $0xffff, v2  }
0x377: {  	[tilespmem:s16+$0x0] =	vst.add.f32.msk $0xffff, v3  }
0x378: {  	s20 =	sor.u32 $0x870, s24;
	v3 =	vld [tilespmem:s30+$0x870]  }
0x379: {  	[tilespmem:s20+$0x0] =	vst.add.f32.msk $0xffff, v1  }
0x37a: {  	v5 =	vld [tilespmem:s28+$0xC00]  }
0x37b: {  	s25 =	rddreg [dreg:$0x8];
	v2 =	vld [tilespmem:s29+$0xC00]  }
0x37c: {  	s21 =	rddreg [dreg:$0x9];
	v1 =	vld [tilespmem:s25+$0xC70]  }
0x37d: {  	[tilespmem:s21+$0x0] =	vst.add.f32.msk $0xffff, v3  }
0x37e: {  	v3 =	vld [tilespmem:s30+$0xC00]  }
0x37f: {  	[tilespmem:s23+$0xC00] =	vst.add.f32.msk $0xffff, v5  }
0x380: {  	[tilespmem:s24+$0xC00] =	vst.add.f32.msk $0xffff, v2  }
0x381: {  	s22 =	rddreg [dreg:$0x5];
	v6 =	vld [tilespmem:s28+$0xC10]  }
0x382: {  	v4 =	vld [tilespmem:s22+$0xC70]  }
0x383: {  	s10 =	smov.u32 s13;
	s13 =	smov.u32 s30;
	[tilespmem:s31+$0xC00] =	vst.add.f32.msk $0xffff, v3  }
0x384: {  	s14 =	smov.u32 s29;
	s29 =	rddreg [dreg:$0x7];
	v3 =	vld [tilespmem:s13+$0xC10]  }
0x385: {  	v2 =	vld [tilespmem:s29+$0xC70]  }
0x386: {  	v5 =	vld [tilespmem:s14+$0xC10]  }
0x387: {  	s15 =	smov.u32 s28;
	[tilespmem:s23+$0xC10] =	vst.add.f32.msk $0xffff, v6  }
0x388: {  	v6 =	vld [tilespmem:s15+$0xC20]  }
0x389: {  	[tilespmem:s31+$0xC10] =	vst.add.f32.msk $0xffff, v3  }
0x38a: {  	v3 =	vld [tilespmem:s13+$0xC20]  }
0x38b: {  	[tilespmem:s24+$0xC10] =	vst.add.f32.msk $0xffff, v5  }
0x38c: {  	v5 =	vld [tilespmem:s14+$0xC20];
	_ =	sdelay $0x1  }
0x38d: {  	[tilespmem:s23+$0xC20] =	vst.add.f32.msk $0xffff, v6  }
0x38e: {  	[tilespmem:s31+$0xC20] =	vst.add.f32.msk $0xffff, v3  }
0x38f: {  	v3 =	vld [tilespmem:s13+$0xC30]  }
0x390: {  	[tilespmem:s24+$0xC20] =	vst.add.f32.msk $0xffff, v5  }
.Ltmp2:
0x391: {  	v5 =	vld [tilespmem:s14+$0xC30];
	s30 =	rddreg [dreg:$0x6];
	(pc) =	sbr.rel @p1 .LBB2_8-.Ltmp2, $4  }
0x392: {  	[tilespmem:s30+$0xC70] =	vst.add.f32.msk $0xffff, v4  }
0x393: {  	s7 =	smov.u32 s31;
	v4 =	vld [tilespmem:s15+$0xC30]  }
0x394: {  	[tilespmem:s7+$0xC30] =	vst.add.f32.msk $0xffff, v3  }
0x395: {  	s26 =	sadd.s32 $0x4, s26;
	s1 =	rddreg [dreg:$0x4];
	v3 =	vld [tilespmem:s13+$0xC40]  }
0x396: {  	[tilespmem:s24+$0xC30] =	vst.add.f32.msk $0xffff, v5  }
0x397: {  	v62 =	vld [tilespmem:s14+$0xC40]  }
0x398: {  	[tilespmem:s23+$0xC30] =	vst.add.f32.msk $0xffff, v4  }
0x399: {  	v63 =	vld [tilespmem:s15+$0xC40]  }
0x39a: {  	[tilespmem:s7+$0xC40] =	vst.add.f32.msk $0xffff, v3  }
0x39b: {  	v3 =	vld [tilespmem:s13+$0xC50]  }
0x39c: {  	[tilespmem:s24+$0xC40] =	vst.add.f32.msk $0xffff, v62  }
0x39d: {  	v4 =	vld [tilespmem:s14+$0xC50]  }
0x39e: {  	[tilespmem:s23+$0xC40] =	vst.add.f32.msk $0xffff, v63  }
0x39f: {  	v5 =	vld [tilespmem:s15+$0xC50]  }
0x3a0: {  	[tilespmem:s7+$0xC50] =	vst.add.f32.msk $0xffff, v3  }
0x3a1: {  	v3 =	vld [tilespmem:s13+$0xC60]  }
0x3a2: {  	[tilespmem:s24+$0xC50] =	vst.add.f32.msk $0xffff, v4  }
0x3a3: {  	v4 =	vld [tilespmem:s14+$0xC60]  }
0x3a4: {  	[tilespmem:s23+$0xC50] =	vst.add.f32.msk $0xffff, v5  }
0x3a5: {  	v5 =	vld [tilespmem:s15+$0xC60]  }
0x3a6: {  	[tilespmem:s7+$0xC60] =	vst.add.f32.msk $0xffff, v3  }
0x3a7: {  	v3 =	vld [tilespmem:s13+$0xC70]  }
0x3a8: {  	[tilespmem:s24+$0xC60] =	vst.add.f32.msk $0xffff, v4  }
0x3a9: {  	v4 =	vld [tilespmem:s14+$0xC70]  }
0x3aa: {  	[tilespmem:s23+$0xC60] =	vst.add.f32.msk $0xffff, v5  }
0x3ab: {  	v5 =	vld [tilespmem:s15+$0xC70]  }
0x3ac: {  	[tilespmem:s10+$0xC70] =	vst.add.f32.msk $0xffff, v1  }
0x3ad: {  	[tilespmem:s19+$0xC70] =	vst.add.f32.msk $0xffff, v2  }
0x3ae: {  	[tilespmem:s7+$0xC70] =	vst.add.f32.msk $0xffff, v3  }
0x3af: {  	[tilespmem:s24+$0xC70] =	vst.add.f32.msk $0xffff, v4  }
0x3b0: {  	[tilespmem:s23+$0xC70] =	vst.add.f32.msk $0xffff, v5  }
.Ltmp3:
0x3b1: {  	(pc) =	sbr.rel @p0 .LBB2_7-.Ltmp3, $2  }
0x3b2: {  	_ =	sdelay $0x2  }
0x3b3: {  	s0 =	simm.s32 $0x1;
	p1 =	por $0x0, $0x0  }
0x3b4: {  	s0 =	sld [smem:$0x7FC];
	_ =	sdelay $0x1  }
0x3b5: {  	s7 =	simm.s32 $0x0;
	s1 =	simm.s32 $0x10200;
	s5 =	simm.s32 $0x3  }
0x3b6: {  	[hbm4b:s0+s7] =	stream.linear.scatter [tilespmem:s1], [sflag:$0x3], $0x2000, $0x38;
	[tilespmem:$0x12200] =	vst v63  }
0x3b7: {  	_ =	swait.ge [sflag:s5], $0x2000  }
0x3b8: {  	s30 =	sld [smem:$0x7F7]  }
0x3b9: {  	s31 =	sld [smem:$0x7FD];
	_ =	sdelay $0x1  }
0x3ba: {  	s1 =	sadd.s32 $0x1, s30  }
0x3bb: {  	p0 =	sne.s32 s1, s31  }
.Ltmp4:
0x3bc: {  	_ = 	snop;
	(pc) =	sbr.rel @p0 .LBB2_1-.Ltmp4, $3  }
0x3bd: {  	_ =	sdelay $0x1  }
0x3be: {  	[sflag:s5] =	ssyncset.done $0x0  }
0x3bf: {  	[sflag:s5] =	ssyncadd.s32 $0xFFFFE000  }
0x3c0: {  	_ =	sfence.sel $0x180000  }
0x3c1: {  	[bflag:$0x0] =	sbarrier.arrive $0xFFFF  }
0x3c2: {  	_ =	strace $0x90000047  }
0x3c3: {  	s0 =	stileid.u32;
	[bflag:$0x2] =	sbarrier.arrive $0xFFFF  }
0x3c4: {  	p0 =	sne.s32 s0, $0x0;
	s0 =	rddreg [dreg:$0x2]  }
0x3c5: {  	s0 =	sadd.s32 @!p0 $0x100000, s0  }
0x3c6: {  	[sflag:s0] =	ssyncadd.tile.s32 @!p0 $0x1;
	_ =	shalt  }
.Lfunc_end2:
_tile_overlayer_lowered:
.L_overlay_start_2:
0x3c7: {  	(tag) =	ssettag $0x2  }
0x3c8: {  	s0 =	rddreg [dreg:$0x0];
	s2 =	stileid.u32  }
0x3c9: {  	s1 =	rddreg [dreg:$0x1];
	p0 =	sne.s32 s2, $0x0  }
0x3ca: {  	s3 =	rddreg [dreg:$0x2];
	[bflag:$0x3] =	sbarrier.arrive $0xFFFF;
	s2 =	simm.s32 @!p0 $0x1C03  }
0x3cb: {  	[timem:s3], [sflag:s2] =	dma.local @!p0 [hbm:s0], s1  }
0x3cc: {  	s0 =	simm.s32 @!p0 $0x3  }
0x3cd: {  	_ =	swait.ge @!p0 [sflag:s0], s1  }
0x3ce: {  	s1 =	ssub.s32 @!p0 $0x0, s1;
	[sflag:s0] =	ssyncset.done @!p0 $0x0  }
0x3cf: {  	[sflag:s0] =	ssyncadd.s32 @!p0 s1  }
0x3d0: {  	[bflag:$0x3] =	sbarrier.arrive $0xFFFF  }
0x3d1: {  	_ =	shalt  }

</sc_bundles>
